<compile_context>
chip_gen: v7x
topology: tpu7x:2x2x1
jax: 0.10.2.dev20260603
libtpu: 0.0.44.dev20260713+nightly
codegen_flags: <defaults>
</compile_context>

<pallas_src>
import functools

import numpy as np

import jax
import jax.numpy as jnp
from jax import lax
from jax.experimental import pallas as pl
from jax.experimental.pallas import tpu as pltpu
from jax.experimental.pallas import tpu_sc as plsc

_PREC = lax.Precision.DEFAULT


def _dot(a, b):
    return jnp.dot(a, b, preferred_element_type=jnp.float32, precision=_PREC)


def _sc_gather(x2, idx_flat, ent_lim, seq_len):
    n_idx = idx_flat.shape[0]
    d = x2.shape[1]
    rows_per_w = 16
    n_workers = n_idx // rows_per_w

    mesh = plsc.VectorSubcoreMesh(core_axis_name="c", subcore_axis_name="s")

    @functools.partial(
        pl.kernel,
        mesh=mesh,
        out_type=jax.ShapeDtypeStruct((n_idx, d), jnp.float32),
        scratch_types=[
            pltpu.VMEM((rows_per_w,), jnp.int32),
            pltpu.VMEM((rows_per_w, d), jnp.float32),
            pltpu.SemaphoreType.DMA,
        ],
    )
    def _gather(hid_hbm, idx_hbm, out_hbm, idx_v, rows_v, sem):
        wid = lax.axis_index("s") * 2 + lax.axis_index("c")

        @pl.when(wid < n_workers)
        def _():
            base = wid * rows_per_w
            pltpu.sync_copy(idx_hbm.at[pl.ds(base, rows_per_w)], idx_v)
            g = lax.iota(jnp.int32, 16) + base
            scale = (1 << 16) // ent_lim + 1
            b = lax.shift_right_logical(g * scale, 16)
            idx_v[...] = idx_v[...] + b * seq_len + 1
            pltpu.async_copy(hid_hbm.at[idx_v], rows_v, sem).wait()
            pltpu.sync_copy(rows_v, out_hbm.at[pl.ds(base, rows_per_w)])

    return _gather(x2, idx_flat)


def _tc_body(n_ner_steps, block_m, re_dim, ent_lim,
             x_ref, wn1_ref, bn1_ref, wn2_ref, bn2_ref,
             ents_ref, posf_ref,
             wh1_ref, bh1_ref, wh2_ref, bh2_ref,
             wt1_ref, bt1_ref, wt2_ref, bt2_ref,
             wbil_ref, bbil_ref, wlh_ref, wlt_ref,
             rall_ref, call_ref, mbd_ref, ffold_ref, mt_ref, f2_ref,
             ner_ref, re_out_ref, pos_out_ref,
             wn1b_scr, wn2b_scr):
    @pl.when(pl.program_id(0) == 0)
    def _cast_weights():
        wn1b_scr[...] = wn1_ref[...].astype(jnp.bfloat16)
        wn2b_scr[...] = wn2_ref[...].astype(jnp.bfloat16)

    @pl.when(pl.program_id(0) < n_ner_steps)
    def _ner_step():
        hblk = jnp.maximum(
            _dot(x_ref[...].astype(jnp.bfloat16), wn1b_scr[...])
            + bn1_ref[...], 0.0)
        ner_ref[...] = _dot(hblk.astype(jnp.bfloat16), wn2b_scr[...]) \
            + bn2_ref[...]

    @pl.when(pl.program_id(0) == n_ner_steps)
    def _re_head():
        x = ents_ref[...]
        hn = jnp.maximum(_dot(x, wn1_ref[...]) + bn1_ref[...], 0.0)
        nerr = _dot(hn, wn2_ref[...]) + bn2_ref[...]
        p = jax.nn.softmax(nerr, axis=-1)

        dd = x.shape[1]
        h = jnp.maximum(_dot(x, wh1_ref[0:dd]) + _dot(p, wh1_ref[dd:])
                        + bh1_ref[...], 0.0)
        head = _dot(h, wh2_ref[...]) + bh2_ref[...]
        t = jnp.maximum(_dot(x, wt1_ref[0:dd]) + _dot(p, wt1_ref[dd:])
                        + bt1_ref[...], 0.0)
        tail = _dot(t, wt2_ref[...]) + bt2_ref[...]

        mbd = mbd_ref[...]
        ffold = ffold_ref[...]
        cols = []
        for o in range(re_dim):
            a_o = _dot(head, wbil_ref[o])
            g_o = lax.dot_general(a_o, tail, (((1,), (1,)), ((), ())),
                                  preferred_element_type=jnp.float32,
                                  precision=_PREC)
            cols.append(_dot(g_o * mbd, ffold))
        bilp = jnp.concatenate(cols, axis=1) + bbil_ref[...]

        head_l = _dot(head, wlh_ref[...])
        tail_l = _dot(tail, wlt_ref[...])

        rall = rall_ref[...]
        callm = call_ref[...]
        s1 = _dot(rall, bilp) * mt_ref[...]
        bilsel = _dot(s1, f2_ref[...])
        linsel = _dot(rall, head_l) + _dot(callm, tail_l)
        re_out_ref[...] = bilsel + linsel

        posf = posf_ref[...]
        ph = _dot(rall, posf)
        pt = _dot(callm, posf)
        pos_out_ref[...] = jnp.concatenate(
            [ph[:, 0:1] * 256.0 + ph[:, 1:2],
             pt[:, 0:1] * 256.0 + pt[:, 1:2]], axis=1).astype(jnp.int32)


def kernel(hidden, entity_idx, W_ner1, b_ner1, W_ner2, b_ner2,
           W_h1, b_h1, W_h2, b_h2, W_t1, b_t1, W_t2, b_t2,
           W_bil, b_bil, W_lin):
    B, S, D = hidden.shape
    L = entity_idx.shape[1]
    nd = W_ner2.shape[1]
    h_dim = W_h2.shape[0]
    re_dim = W_bil.shape[0]
    P = L * (L - 1)
    BL = B * L
    BP = B * P

    x2 = hidden.reshape(B * S, D)

    ents = _sc_gather(x2, entity_idx.reshape(-1), L, S)

    prs = [(i, j) for i in range(L) for j in range(L) if j != i]
    ih = np.array([q[0] for q in prs], dtype=np.int64)
    it = np.array([q[1] for q in prs], dtype=np.int64)

    rall = np.zeros((BP, BL), dtype=np.float32)
    callm = np.zeros((BP, BL), dtype=np.float32)
    bb = np.repeat(np.arange(B), P) * L
    rall[np.arange(BP), bb + np.tile(ih, B)] = 1.0
    callm[np.arange(BP), bb + np.tile(it, B)] = 1.0

    xg = np.arange(BL) // L
    mbd = (xg[:, None] == xg[None, :]).astype(np.float32)
    ffold = (np.arange(BL)[:, None] % L ==
             np.arange(L)[None, :]).astype(np.float32)
    mt90 = np.zeros((P, re_dim * L), dtype=np.float32)
    mt90[np.arange(P)[:, None],
         np.arange(re_dim)[None, :] * L + it[:, None]] = 1.0
    mt = np.tile(mt90, (B, 1))
    f2 = (np.arange(re_dim * L)[:, None] // L ==
          np.arange(re_dim)[None, :]).astype(np.float32)

    pos1 = entity_idx.reshape(BL, 1) + 1
    posf = jnp.concatenate([pos1 // 256, pos1 % 256], axis=1) \
        .astype(jnp.float32)
    bbil_exp = jnp.repeat(b_bil, L).reshape(1, re_dim * L)

    block_m = 2048
    n_ner_steps = (B * S) // block_m
    grid = (n_ner_steps + 1,)
    body = functools.partial(_tc_body, n_ner_steps, block_m, re_dim, L)

    def _xmap(i):
        return (jnp.minimum(i, n_ner_steps - 1), 0)

    _const = lambda i: (0, 0)
    _const3 = lambda i: (0, 0, 0)

    ner, re_out, pos_out = pl.pallas_call(
        body,
        grid=grid,
        in_specs=[
            pl.BlockSpec((block_m, D), _xmap),
            pl.BlockSpec((D, D), _const),
            pl.BlockSpec((1, D), _const),
            pl.BlockSpec((D, nd), _const),
            pl.BlockSpec((1, nd), _const),
            pl.BlockSpec((BL, D), _const),
            pl.BlockSpec((BL, 2), _const),
            pl.BlockSpec((D + nd, h_dim), _const),
            pl.BlockSpec((1, h_dim), _const),
            pl.BlockSpec((h_dim, h_dim), _const),
            pl.BlockSpec((1, h_dim), _const),
            pl.BlockSpec((D + nd, h_dim), _const),
            pl.BlockSpec((1, h_dim), _const),
            pl.BlockSpec((h_dim, h_dim), _const),
            pl.BlockSpec((1, h_dim), _const),
            pl.BlockSpec((re_dim, h_dim, h_dim), _const3),
            pl.BlockSpec((1, re_dim * L), _const),
            pl.BlockSpec((h_dim, re_dim), _const),
            pl.BlockSpec((h_dim, re_dim), _const),
            pl.BlockSpec((BP, BL), _const),
            pl.BlockSpec((BP, BL), _const),
            pl.BlockSpec((BL, BL), _const),
            pl.BlockSpec((BL, L), _const),
            pl.BlockSpec((BP, re_dim * L), _const),
            pl.BlockSpec((re_dim * L, re_dim), _const),
        ],
        out_specs=(
            pl.BlockSpec((block_m, nd), _xmap),
            pl.BlockSpec((BP, re_dim), _const),
            pl.BlockSpec((BP, 2), _const),
        ),
        out_shape=(
            jax.ShapeDtypeStruct((B * S, nd), jnp.float32),
            jax.ShapeDtypeStruct((BP, re_dim), jnp.float32),
            jax.ShapeDtypeStruct((BP, 2), jnp.int32),
        ),
        scratch_shapes=[
            pltpu.VMEM((D, D), jnp.bfloat16),
            pltpu.VMEM((D, nd), jnp.bfloat16),
        ],
        compiler_params=pltpu.CompilerParams(
            dimension_semantics=("arbitrary",),
            vmem_limit_bytes=100 * 1024 * 1024,
        ),
    )(x2, W_ner1, b_ner1.reshape(1, D), W_ner2, b_ner2.reshape(1, nd),
      ents, posf,
      W_h1, b_h1.reshape(1, h_dim), W_h2, b_h2.reshape(1, h_dim),
      W_t1, b_t1.reshape(1, h_dim), W_t2, b_t2.reshape(1, h_dim),
      W_bil, bbil_exp, W_lin[:h_dim], W_lin[h_dim:],
      jnp.asarray(rall), jnp.asarray(callm), jnp.asarray(mbd),
      jnp.asarray(ffold), jnp.asarray(mt), jnp.asarray(f2))

    return (ner.reshape(B, S, nd),
            pos_out.reshape(B, P, 2),
            re_out.reshape(B, P, re_dim))

# --- scband reference (transcript-rebuilt; emitter-appended) ---
"""Pipeline reference for scband-base-iemodel-12635793784907 (READ-ONLY COPY).

The authoritative reference and input builder live on the scoring server;
editing this copy changes nothing except your own understanding.
"""

import jax, jax.numpy as jnp
import numpy as np

ENTITY_LIM = 10
_pairs = [(i, j) for i in range(ENTITY_LIM) for j in range(ENTITY_LIM) if j != i]
IDX_HEAD = np.array([p[0] for p in _pairs], dtype=np.int32)
IDX_TAIL = np.array([p[1] for p in _pairs], dtype=np.int32)


def setup_inputs(seed: int = 0) -> dict:
    key = jax.random.key(seed)
    ks = jax.random.split(key, 16)
    B, S, D = 16, 2048, 768
    ner_dim, re_dim, h_dim = 13, 10, 512
    in_re = D + ner_dim
    s = 0.02
    inp = {}
    inp["hidden"] = jax.random.normal(ks[0], (B, S, D), dtype=jnp.float32)
    inp["entity_idx"] = jax.random.randint(ks[1], (B, ENTITY_LIM), 0, S - 1)
    inp["W_ner1"] = jax.random.normal(ks[2], (D, D), dtype=jnp.float32) * s
    inp["b_ner1"] = jnp.zeros((D,), dtype=jnp.float32)
    inp["W_ner2"] = jax.random.normal(ks[3], (D, ner_dim), dtype=jnp.float32) * s
    inp["b_ner2"] = jnp.zeros((ner_dim,), dtype=jnp.float32)
    inp["W_h1"] = jax.random.normal(ks[4], (in_re, h_dim), dtype=jnp.float32) * s
    inp["b_h1"] = jnp.zeros((h_dim,), dtype=jnp.float32)
    inp["W_h2"] = jax.random.normal(ks[5], (h_dim, h_dim), dtype=jnp.float32) * s
    inp["b_h2"] = jnp.zeros((h_dim,), dtype=jnp.float32)
    inp["W_t1"] = jax.random.normal(ks[6], (in_re, h_dim), dtype=jnp.float32) * s
    inp["b_t1"] = jnp.zeros((h_dim,), dtype=jnp.float32)
    inp["W_t2"] = jax.random.normal(ks[7], (h_dim, h_dim), dtype=jnp.float32) * s
    inp["b_t2"] = jnp.zeros((h_dim,), dtype=jnp.float32)
    inp["W_bil"] = jax.random.normal(ks[8], (re_dim, h_dim, h_dim), dtype=jnp.float32) * s
    inp["b_bil"] = jnp.zeros((re_dim,), dtype=jnp.float32)
    inp["W_lin"] = jax.random.normal(ks[9], (2 * h_dim, re_dim), dtype=jnp.float32) * s
    return inp


def reference(hidden, entity_idx, W_ner1, b_ner1, W_ner2, b_ner2,
              W_h1, b_h1, W_h2, b_h2, W_t1, b_t1, W_t2, b_t2,
              W_bil, b_bil, W_lin):
    # NERModule (n_layers=2; dropout identity in eval)
    h1 = jax.nn.relu(hidden @ W_ner1 + b_ner1)
    ner = h1 @ W_ner2 + b_ner2
    # concat hidden states with softmaxed NER logits
    x = jnp.concatenate([hidden, jax.nn.softmax(ner, axis=2)], axis=-1)
    ctx, xb = x[:, :1], x[:, 1:]
    # deterministic stand-in for Entity_filter + PAD + entity_lim truncation:
    # gather entity_lim entity representations per example at given token indices
    ents = jnp.take_along_axis(xb, entity_idx[:, :, None], axis=1)  # [B, L, D+ner_dim]
    positions = entity_idx + 1  # [B, L], +1 as in Entity_filter
    # REModule: head/tail MLPs
    head = jax.nn.relu(ents @ W_h1 + b_h1) @ W_h2 + b_h2
    tail = jax.nn.relu(ents @ W_t1 + b_t1) @ W_t2 + b_t2
    # all ordered pairs excluding diagonal (same order as itertools.product + pops)
    hp = head[:, IDX_HEAD]  # [B, 90, h]
    tp = tail[:, IDX_TAIL]  # [B, 90, h]
    pos_pairs = jnp.stack([positions[:, IDX_HEAD], positions[:, IDX_TAIL]], axis=-1)  # [B, 90, 2]
    # Biaffine = Bilinear(head, tail) + Linear(cat(head, tail))
    bil = jnp.einsum('bpi,oij,bpj->bpo', hp, W_bil, tp) + b_bil
    lin = jnp.concatenate([hp, tp], axis=-1) @ W_lin
    re_logits = bil + lin
    return (ner, pos_pairs, re_logits)

if __name__ == "__main__":
    import jax
    _d = setup_inputs()
    print(jax.jit(kernel)(*tuple(_d.values())))

</pallas_src>

<mosaic_0001>
#map = affine_map<(d0, d1) -> (0, 0)>
#map1 = affine_map<(d0, d1) -> (0)>
module attributes {stable_mosaic.version = 14 : i64} {
  func.func @_gather(%arg0: i32, %arg1: i32, %arg2: memref<32768x768xf32, #tpu.memory_space<hbm>>, %arg3: memref<160xi32, #tpu.memory_space<hbm>>, %arg4: memref<160x768xf32, #tpu.memory_space<hbm>>, %arg5: memref<16xi32, #tpu.memory_space<vmem>>, %arg6: memref<16x768xf32, #tpu.memory_space<vmem>>, %arg7: memref<!tpu.dma_semaphore, #tpu.memory_space<semaphore_mem>>) attributes {dimension_semantics = [#tpu.dimension_semantics<core_parallel>, #tpu.dimension_semantics<subcore_parallel>], iteration_bounds = array<i64: 2, 16>, scalar_prefetch = 0 : i64, scratch_operands = 3 : i64, tpu.core_type = #tpu.core_type<sc_vector_subcore>, window_params = [{transform_indices = #map}, {transform_indices = #map1}, {transform_indices = #map}]} {
    %mul3A = arith.constant 2 : i32
    %mul3A_0 = arith.muli %arg1, %mul3A : i32
    %add3A = arith.addi %mul3A_0, %arg0 : i32
    %lt3A = arith.constant 10 : i32
    %lt3A_1 = arith.cmpi slt, %add3A, %lt3A : i32
    %convert_element_type3A = arith.extui %lt3A_1 : i1 to i32
    %cond3A = arith.constant 0 : i32
    %cond3A_2 = arith.cmpi ne, %convert_element_type3A, %cond3A : i32
    scf.if %cond3A_2 {
      %mul3A_3 = arith.constant 16 : i32
      %mul3A_4 = arith.muli %add3A, %mul3A_3 : i32
      "tpu.region"() ({
        %run_scoped3A = tpu.sem_alloc : memref<!tpu.dma_semaphore, #tpu.memory_space<semaphore_mem>>
        %dma_start3A_28 = tpu.memref_slice %arg3[%mul3A_4] : memref<160xi32, #tpu.memory_space<hbm>> -> memref<16xi32, #tpu.memory_space<hbm>>
        %dma_start3A_29 = tpu.memref_slice %arg3[%mul3A_4] : memref<160xi32, #tpu.memory_space<hbm>> -> memref<16xi32, #tpu.memory_space<hbm>>
        tpu.enqueue_dma source(%dma_start3A_29 : memref<16xi32, #tpu.memory_space<hbm>>) target(%arg5 : memref<16xi32, #tpu.memory_space<vmem>>) target_semaphore(%run_scoped3A : memref<!tpu.dma_semaphore, #tpu.memory_space<semaphore_mem>>)
        %dma_wait3A_30 = tpu.memref_slice %arg3[%mul3A_4] : memref<160xi32, #tpu.memory_space<hbm>> -> memref<16xi32, #tpu.memory_space<hbm>>
        %dma_wait3A_31 = tpu.memref_slice %arg3[%mul3A_4] : memref<160xi32, #tpu.memory_space<hbm>> -> memref<16xi32, #tpu.memory_space<hbm>>
        tpu.wait_dma2 semaphore(%run_scoped3A : memref<!tpu.dma_semaphore, #tpu.memory_space<semaphore_mem>>) src(%dma_wait3A_31 : memref<16xi32, #tpu.memory_space<hbm>>) dst(%arg5 : memref<16xi32, #tpu.memory_space<vmem>>)
        tpu.yield
      }) : () -> ()
      %iota3A = tpu.iota {dimensions = array<i32: 0>} : vector<16xi32>
      %add3A_5 = vector.broadcast %mul3A_4 : i32 to vector<16xi32>
      %add3A_6 = arith.addi %iota3A, %add3A_5 : vector<16xi32>
      %mul3A_7 = arith.constant 6554 : i32
      %mul3A_8 = vector.broadcast %mul3A_7 : i32 to vector<16xi32>
      %mul3A_9 = arith.muli %add3A_6, %mul3A_8 : vector<16xi32>
      %shift_right_logical3A = arith.constant 16 : i32
      %shift_right_logical3A_10 = vector.broadcast %shift_right_logical3A : i32 to vector<16xi32>
      %shift_right_logical3A_11 = arith.shrui %mul3A_9, %shift_right_logical3A_10 : vector<16xi32>
      %get3A = arith.constant 0 : index
      %get3A_12 = tpu.vector_load %arg5[%get3A] {strides = array<i32>} : memref<16xi32, #tpu.memory_space<vmem>>, vector<16xi32>,
      %get3A_13 = vector.shape_cast %get3A_12 : vector<16xi32> to vector<16xi32>
      %mul3A_14 = arith.constant 2048 : i32
      %mul3A_15 = vector.broadcast %mul3A_14 : i32 to vector<16xi32>
      %mul3A_16 = arith.muli %shift_right_logical3A_11, %mul3A_15 : vector<16xi32>
      %add3A_17 = arith.addi %get3A_13, %mul3A_16 : vector<16xi32>
      %add3A_18 = arith.constant 1 : i32
      %add3A_19 = vector.broadcast %add3A_18 : i32 to vector<16xi32>
      %add3A_20 = arith.addi %add3A_17, %add3A_19 : vector<16xi32>
      %swap3A = arith.constant 0 : index
      %swap3A_21 = tpu.vector_load %arg5[%swap3A] {strides = array<i32>} : memref<16xi32, #tpu.memory_space<vmem>>, vector<16xi32>,
      %swap3A_22 = vector.shape_cast %swap3A_21 : vector<16xi32> to vector<16xi32>
      %swap3A_23 = vector.shape_cast %add3A_20 : vector<16xi32> to vector<16xi32>
      tpu.vector_store %arg5[%swap3A], %swap3A_23 {strides = array<i32>} : memref<16xi32, #tpu.memory_space<vmem>>, vector<16xi32>,
      %dma_start3A = arith.constant 0 : i32
      %dma_start3A_24 = arith.constant 0 : i32
      %dma_start3A_25 = tpu.memref_slice %arg2[%dma_start3A, %dma_start3A_24] : memref<32768x768xf32, #tpu.memory_space<hbm>> -> memref<32768x768xf32, #tpu.memory_space<hbm>>
      tpu.enqueue_indirect_dma source(%dma_start3A_25 : memref<32768x768xf32, #tpu.memory_space<hbm>>) target(%arg6 : memref<16x768xf32, #tpu.memory_space<vmem>>) offsets(%arg5 : memref<16xi32, #tpu.memory_space<vmem>>) semaphore(%arg7 : memref<!tpu.dma_semaphore, #tpu.memory_space<semaphore_mem>>)
      %dma_wait3A = arith.constant 0 : i32
      %dma_wait3A_26 = arith.constant 0 : i32
      %dma_wait3A_27 = tpu.memref_slice %arg2[%dma_wait3A, %dma_wait3A_26] : memref<32768x768xf32, #tpu.memory_space<hbm>> -> memref<32768x768xf32, #tpu.memory_space<hbm>>
      tpu.wait_indirect_dma semaphore(%arg7 : memref<!tpu.dma_semaphore, #tpu.memory_space<semaphore_mem>>) src(%dma_wait3A_27 : memref<32768x768xf32, #tpu.memory_space<hbm>>) dst(%arg6 : memref<16x768xf32, #tpu.memory_space<vmem>>)
      "tpu.region"() ({
        %run_scoped3A = tpu.sem_alloc : memref<!tpu.dma_semaphore, #tpu.memory_space<semaphore_mem>>
        %dma_start3A_28 = arith.constant 0 : i32
        %dma_start3A_29 = tpu.memref_slice %arg4[%mul3A_4, %dma_start3A_28] : memref<160x768xf32, #tpu.memory_space<hbm>> -> memref<16x768xf32, #tpu.memory_space<hbm>>
        %dma_start3A_30 = arith.constant 0 : i32
        %dma_start3A_31 = tpu.memref_slice %arg4[%mul3A_4, %dma_start3A_30] : memref<160x768xf32, #tpu.memory_space<hbm>> -> memref<16x768xf32, #tpu.memory_space<hbm>>
        tpu.enqueue_dma source(%arg6 : memref<16x768xf32, #tpu.memory_space<vmem>>) target(%dma_start3A_31 : memref<16x768xf32, #tpu.memory_space<hbm>>) target_semaphore(%run_scoped3A : memref<!tpu.dma_semaphore, #tpu.memory_space<semaphore_mem>>)
        %dma_wait3A_32 = arith.constant 0 : i32
        %dma_wait3A_33 = tpu.memref_slice %arg4[%mul3A_4, %dma_wait3A_32] : memref<160x768xf32, #tpu.memory_space<hbm>> -> memref<16x768xf32, #tpu.memory_space<hbm>>
        %dma_wait3A_34 = arith.constant 0 : i32
        %dma_wait3A_35 = tpu.memref_slice %arg4[%mul3A_4, %dma_wait3A_34] : memref<160x768xf32, #tpu.memory_space<hbm>> -> memref<16x768xf32, #tpu.memory_space<hbm>>
        tpu.wait_dma2 semaphore(%run_scoped3A : memref<!tpu.dma_semaphore, #tpu.memory_space<semaphore_mem>>) src(%arg6 : memref<16x768xf32, #tpu.memory_space<vmem>>) dst(%dma_wait3A_35 : memref<16x768xf32, #tpu.memory_space<hbm>>)
        tpu.yield
      }) : () -> ()
    } else {
    }
    return
  }
}

module attributes {stable_mosaic.version = 14 : i64} {
  func.func @_tc_body(%arg0: i32, %arg1: memref<2048x768xf32, #tpu.memory_space<vmem>>, %arg2: memref<768x768xf32, #tpu.memory_space<vmem>>, %arg3: memref<1x768xf32, #tpu.memory_space<vmem>>, %arg4: memref<768x13xf32, #tpu.memory_space<vmem>>, %arg5: memref<1x13xf32, #tpu.memory_space<vmem>>, %arg6: memref<160x768xf32, #tpu.memory_space<vmem>>, %arg7: memref<160x2xf32, #tpu.memory_space<vmem>>, %arg8: memref<781x512xf32, #tpu.memory_space<vmem>>, %arg9: memref<1x512xf32, #tpu.memory_space<vmem>>, %arg10: memref<512x512xf32, #tpu.memory_space<vmem>>, %arg11: memref<1x512xf32, #tpu.memory_space<vmem>>, %arg12: memref<781x512xf32, #tpu.memory_space<vmem>>, %arg13: memref<1x512xf32, #tpu.memory_space<vmem>>, %arg14: memref<512x512xf32, #tpu.memory_space<vmem>>, %arg15: memref<1x512xf32, #tpu.memory_space<vmem>>, %arg16: memref<10x512x512xf32, #tpu.memory_space<vmem>>, %arg17: memref<1x100xf32, #tpu.memory_space<vmem>>, %arg18: memref<512x10xf32, #tpu.memory_space<vmem>>, %arg19: memref<512x10xf32, #tpu.memory_space<vmem>>, %arg20: memref<1440x160xf32, #tpu.memory_space<vmem>>, %arg21: memref<1440x160xf32, #tpu.memory_space<vmem>>, %arg22: memref<160x160xf32, #tpu.memory_space<vmem>>, %arg23: memref<160x10xf32, #tpu.memory_space<vmem>>, %arg24: memref<1440x100xf32, #tpu.memory_space<vmem>>, %arg25: memref<100x10xf32, #tpu.memory_space<vmem>>, %arg26: memref<2048x13xf32, #tpu.memory_space<vmem>>, %arg27: memref<1440x10xf32, #tpu.memory_space<vmem>>, %arg28: memref<1440x2xi32, #tpu.memory_space<vmem>>, %arg29: memref<768x768xbf16, #tpu.memory_space<vmem>>, %arg30: memref<768x13xbf16, #tpu.memory_space<vmem>>) attributes {dimension_semantics = [#tpu.dimension_semantics<arbitrary>], iteration_bounds = array<i64: 17>, scalar_prefetch = 0 : i64, scratch_operands = 2 : i64, tpu.core_type = #tpu.core_type<tc>, window_params = [{transform_indices = @transform_0, window_bounds = array<i64: 2048, 768>}, {pipeline_mode = #tpu.pipeline_mode<synchronous>, transform_indices = @transform_1, window_bounds = array<i64: 768, 768>}, {pipeline_mode = #tpu.pipeline_mode<synchronous>, transform_indices = @transform_2, window_bounds = array<i64: 1, 768>}, {pipeline_mode = #tpu.pipeline_mode<synchronous>, transform_indices = @transform_3, window_bounds = array<i64: 768, 13>}, {pipeline_mode = #tpu.pipeline_mode<synchronous>, transform_indices = @transform_4, window_bounds = array<i64: 1, 13>}, {pipeline_mode = #tpu.pipeline_mode<synchronous>, transform_indices = @transform_5, window_bounds = array<i64: 160, 768>}, {pipeline_mode = #tpu.pipeline_mode<synchronous>, transform_indices = @transform_6, window_bounds = array<i64: 160, 2>}, {pipeline_mode = #tpu.pipeline_mode<synchronous>, transform_indices = @transform_7, window_bounds = array<i64: 781, 512>}, {pipeline_mode = #tpu.pipeline_mode<synchronous>, transform_indices = @transform_8, window_bounds = array<i64: 1, 512>}, {pipeline_mode = #tpu.pipeline_mode<synchronous>, transform_indices = @transform_9, window_bounds = array<i64: 512, 512>}, {pipeline_mode = #tpu.pipeline_mode<synchronous>, transform_indices = @transform_10, window_bounds = array<i64: 1, 512>}, {pipeline_mode = #tpu.pipeline_mode<synchronous>, transform_indices = @transform_11, window_bounds = array<i64: 781, 512>}, {pipeline_mode = #tpu.pipeline_mode<synchronous>, transform_indices = @transform_12, window_bounds = array<i64: 1, 512>}, {pipeline_mode = #tpu.pipeline_mode<synchronous>, transform_indices = @transform_13, window_bounds = array<i64: 512, 512>}, {pipeline_mode = #tpu.pipeline_mode<synchronous>, transform_indices = @transform_14, window_bounds = array<i64: 1, 512>}, {pipeline_mode = #tpu.pipeline_mode<synchronous>, transform_indices = @transform_15, window_bounds = array<i64: 10, 512, 512>}, {pipeline_mode = #tpu.pipeline_mode<synchronous>, transform_indices = @transform_16, window_bounds = array<i64: 1, 100>}, {pipeline_mode = #tpu.pipeline_mode<synchronous>, transform_indices = @transform_17, window_bounds = array<i64: 512, 10>}, {pipeline_mode = #tpu.pipeline_mode<synchronous>, transform_indices = @transform_18, window_bounds = array<i64: 512, 10>}, {pipeline_mode = #tpu.pipeline_mode<synchronous>, transform_indices = @transform_19, window_bounds = array<i64: 1440, 160>}, {pipeline_mode = #tpu.pipeline_mode<synchronous>, transform_indices = @transform_20, window_bounds = array<i64: 1440, 160>}, {pipeline_mode = #tpu.pipeline_mode<synchronous>, transform_indices = @transform_21, window_bounds = array<i64: 160, 160>}, {pipeline_mode = #tpu.pipeline_mode<synchronous>, transform_indices = @transform_22, window_bounds = array<i64: 160, 10>}, {pipeline_mode = #tpu.pipeline_mode<synchronous>, transform_indices = @transform_23, window_bounds = array<i64: 1440, 100>}, {pipeline_mode = #tpu.pipeline_mode<synchronous>, transform_indices = @transform_24, window_bounds = array<i64: 100, 10>}, {transform_indices = @transform_25, window_bounds = array<i64: 2048, 13>}, {pipeline_mode = #tpu.pipeline_mode<synchronous>, transform_indices = @transform_26, window_bounds = array<i64: 1440, 10>}, {pipeline_mode = #tpu.pipeline_mode<synchronous>, transform_indices = @transform_27, window_bounds = array<i64: 1440, 2>}]} {
    %eq3A = arith.constant 0 : i32
    %eq3A_0 = arith.cmpi eq, %arg0, %eq3A : i32
    %convert_element_type3A = arith.extui %eq3A_0 : i1 to i32
    %cond3A = arith.constant 0 : i32
    %cond3A_1 = arith.cmpi ne, %convert_element_type3A, %cond3A : i32
    scf.if %cond3A_1 {
      %get3A = arith.constant 0 : index
      %get3A_11 = arith.constant 0 : index
      %get3A_12 = vector.load %arg2[%get3A, %get3A_11] : memref<768x768xf32, #tpu.memory_space<vmem>>, vector<768x768xf32>
      %convert_element_type3A_13 = arith.truncf %get3A_12 : vector<768x768xf32> to vector<768x768xbf16>
      %swap3A = arith.constant 0 : index
      %swap3A_14 = arith.constant 0 : index
      %swap3A_15 = vector.load %arg29[%swap3A, %swap3A_14] : memref<768x768xbf16, #tpu.memory_space<vmem>>, vector<768x768xbf16>
      tpu.vector_store %arg29[%swap3A, %swap3A_14], %convert_element_type3A_13 {strides = array<i32>} : memref<768x768xbf16, #tpu.memory_space<vmem>>, vector<768x768xbf16>,
      %get3A_16 = arith.constant 0 : index
      %get3A_17 = arith.constant 0 : index
      %get3A_18 = vector.load %arg4[%get3A_16, %get3A_17] : memref<768x13xf32, #tpu.memory_space<vmem>>, vector<768x13xf32>
      %convert_element_type3A_19 = arith.truncf %get3A_18 : vector<768x13xf32> to vector<768x13xbf16>
      %swap3A_20 = arith.constant 0 : index
      %swap3A_21 = arith.constant 0 : index
      %swap3A_22 = vector.load %arg30[%swap3A_20, %swap3A_21] : memref<768x13xbf16, #tpu.memory_space<vmem>>, vector<768x13xbf16>
      tpu.vector_store %arg30[%swap3A_20, %swap3A_21], %convert_element_type3A_19 {strides = array<i32>} : memref<768x13xbf16, #tpu.memory_space<vmem>>, vector<768x13xbf16>,
    } else {
    }
    %lt3A = arith.constant 16 : i32
    %lt3A_2 = arith.cmpi slt, %arg0, %lt3A : i32
    %convert_element_type3A_3 = arith.extui %lt3A_2 : i1 to i32
    %cond3A_4 = arith.constant 0 : i32
    %cond3A_5 = arith.cmpi ne, %convert_element_type3A_3, %cond3A_4 : i32
    scf.if %cond3A_5 {
      %get3A = arith.constant 0 : index
      %get3A_11 = arith.constant 0 : index
      %get3A_12 = vector.load %arg1[%get3A, %get3A_11] : memref<2048x768xf32, #tpu.memory_space<vmem>>, vector<2048x768xf32>
      %convert_element_type3A_13 = arith.truncf %get3A_12 : vector<2048x768xf32> to vector<2048x768xbf16>
      %get3A_14 = arith.constant 0 : index
      %get3A_15 = arith.constant 0 : index
      %get3A_16 = vector.load %arg29[%get3A_14, %get3A_15] : memref<768x768xbf16, #tpu.memory_space<vmem>>, vector<768x768xbf16>
      %dot_general3A = arith.constant dense<0.000000e+00> : vector<2048x768xf32>
      %dot_general3A_17 = tpu.matmul %convert_element_type3A_13, %get3A_16, %dot_general3A {dimension_numbers = #tpu.dot_dimension_numbers<[1], [0], [0], [1], [0, 0, 1, 1], [], []>, transpose_lhs_hint = false} : vector<2048x768xbf16>, vector<768x768xbf16>, vector<2048x768xf32> -> vector<2048x768xf32>
      %get3A_18 = arith.constant 0 : index
      %get3A_19 = arith.constant 0 : index
      %get3A_20 = vector.load %arg3[%get3A_18, %get3A_19] : memref<1x768xf32, #tpu.memory_space<vmem>>, vector<1x768xf32>
      %add3A = vector.broadcast %get3A_20 : vector<1x768xf32> to vector<2048x768xf32>
      %add3A_21 = arith.addf %dot_general3A_17, %add3A : vector<2048x768xf32>
      %max3A = arith.constant 0.000000e+00 : f32
      %max3A_22 = vector.broadcast %max3A : f32 to vector<2048x768xf32>
      %max3A_23 = arith.maximumf %add3A_21, %max3A_22 : vector<2048x768xf32>
      %convert_element_type3A_24 = arith.truncf %max3A_23 : vector<2048x768xf32> to vector<2048x768xbf16>
      %get3A_25 = arith.constant 0 : index
      %get3A_26 = arith.constant 0 : index
      %get3A_27 = vector.load %arg30[%get3A_25, %get3A_26] : memref<768x13xbf16, #tpu.memory_space<vmem>>, vector<768x13xbf16>
      %dot_general3A_28 = arith.constant dense<0.000000e+00> : vector<2048x13xf32>
      %dot_general3A_29 = tpu.matmul %convert_element_type3A_24, %get3A_27, %dot_general3A_28 {dimension_numbers = #tpu.dot_dimension_numbers<[1], [0], [0], [1], [0, 0, 1, 1], [], []>, transpose_lhs_hint = false} : vector<2048x768xbf16>, vector<768x13xbf16>, vector<2048x13xf32> -> vector<2048x13xf32>
      %get3A_30 = arith.constant 0 : index
      %get3A_31 = arith.constant 0 : index
      %get3A_32 = vector.load %arg5[%get3A_30, %get3A_31] : memref<1x13xf32, #tpu.memory_space<vmem>>, vector<1x13xf32>
      %add3A_33 = vector.broadcast %get3A_32 : vector<1x13xf32> to vector<2048x13xf32>
      %add3A_34 = arith.addf %dot_general3A_29, %add3A_33 : vector<2048x13xf32>
      %swap3A = arith.constant 0 : index
      %swap3A_35 = arith.constant 0 : index
      %swap3A_36 = vector.load %arg26[%swap3A, %swap3A_35] : memref<2048x13xf32, #tpu.memory_space<vmem>>, vector<2048x13xf32>
      tpu.vector_store %arg26[%swap3A, %swap3A_35], %add3A_34 {strides = array<i32>} : memref<2048x13xf32, #tpu.memory_space<vmem>>, vector<2048x13xf32>,
    } else {
    }
    %eq3A_6 = arith.constant 16 : i32
    %eq3A_7 = arith.cmpi eq, %arg0, %eq3A_6 : i32
    %convert_element_type3A_8 = arith.extui %eq3A_7 : i1 to i32
    %cond3A_9 = arith.constant 0 : i32
    %cond3A_10 = arith.cmpi ne, %convert_element_type3A_8, %cond3A_9 : i32
    scf.if %cond3A_10 {
      %get3A = arith.constant 0 : index
      %get3A_11 = arith.constant 0 : index
      %get3A_12 = vector.load %arg6[%get3A, %get3A_11] : memref<160x768xf32, #tpu.memory_space<vmem>>, vector<160x768xf32>
      %get3A_13 = arith.constant 0 : index
      %get3A_14 = arith.constant 0 : index
      %get3A_15 = vector.load %arg2[%get3A_13, %get3A_14] : memref<768x768xf32, #tpu.memory_space<vmem>>, vector<768x768xf32>
      %dot_general3A = arith.constant dense<0.000000e+00> : vector<160x768xf32>
      %dot_general3A_16 = tpu.matmul %get3A_12, %get3A_15, %dot_general3A {dimension_numbers = #tpu.dot_dimension_numbers<[1], [0], [0], [1], [0, 0, 1, 1], [], []>, transpose_lhs_hint = false} : vector<160x768xf32>, vector<768x768xf32>, vector<160x768xf32> -> vector<160x768xf32>
      %get3A_17 = arith.constant 0 : index
      %get3A_18 = arith.constant 0 : index
      %get3A_19 = vector.load %arg3[%get3A_17, %get3A_18] : memref<1x768xf32, #tpu.memory_space<vmem>>, vector<1x768xf32>
      %add3A = vector.broadcast %get3A_19 : vector<1x768xf32> to vector<160x768xf32>
      %add3A_20 = arith.addf %dot_general3A_16, %add3A : vector<160x768xf32>
      %max3A = arith.constant 0.000000e+00 : f32
      %max3A_21 = vector.broadcast %max3A : f32 to vector<160x768xf32>
      %max3A_22 = arith.maximumf %add3A_20, %max3A_21 : vector<160x768xf32>
      %get3A_23 = arith.constant 0 : index
      %get3A_24 = arith.constant 0 : index
      %get3A_25 = vector.load %arg4[%get3A_23, %get3A_24] : memref<768x13xf32, #tpu.memory_space<vmem>>, vector<768x13xf32>
      %dot_general3A_26 = arith.constant dense<0.000000e+00> : vector<160x13xf32>
      %dot_general3A_27 = tpu.matmul %max3A_22, %get3A_25, %dot_general3A_26 {dimension_numbers = #tpu.dot_dimension_numbers<[1], [0], [0], [1], [0, 0, 1, 1], [], []>, transpose_lhs_hint = false} : vector<160x768xf32>, vector<768x13xf32>, vector<160x13xf32> -> vector<160x13xf32>
      %get3A_28 = arith.constant 0 : index
      %get3A_29 = arith.constant 0 : index
      %get3A_30 = vector.load %arg5[%get3A_28, %get3A_29] : memref<1x13xf32, #tpu.memory_space<vmem>>, vector<1x13xf32>
      %add3A_31 = vector.broadcast %get3A_30 : vector<1x13xf32> to vector<160x13xf32>
      %add3A_32 = arith.addf %dot_general3A_27, %add3A_31 : vector<160x13xf32>
      %reduce_max3A = arith.constant dense<0xFF800000> : vector<160xf32>
      %reduce_max3A_33 = vector.multi_reduction <maximumf>, %add3A_32, %reduce_max3A [1] : vector<160x13xf32> to vector<160xf32>
      %max3A_34 = arith.constant 0xFF800000 : f32
      %max3A_35 = vector.broadcast %max3A_34 : f32 to vector<160xf32>
      %max3A_36 = arith.maximumf %max3A_35, %reduce_max3A_33 : vector<160xf32>
      %broadcast_in_dim3A = vector.shape_cast %max3A_36 : vector<160xf32> to vector<160x1xf32>
      %sub3A = vector.broadcast %broadcast_in_dim3A : vector<160x1xf32> to vector<160x13xf32>
      %sub3A_37 = arith.subf %add3A_32, %sub3A : vector<160x13xf32>
      %exp3A = math.exp %sub3A_37 : vector<160x13xf32>
      %reduce_sum3A = arith.constant dense<0.000000e+00> : vector<160xf32>
      %reduce_sum3A_38 = vector.multi_reduction <add>, %exp3A, %reduce_sum3A [1] : vector<160x13xf32> to vector<160xf32>
      %broadcast_in_dim3A_39 = vector.shape_cast %reduce_sum3A_38 : vector<160xf32> to vector<160x1xf32>
      %div3A = vector.broadcast %broadcast_in_dim3A_39 : vector<160x1xf32> to vector<160x13xf32>
      %div3A_40 = arith.divf %exp3A, %div3A : vector<160x13xf32>
      %get3A_41 = arith.constant 0 : index
      %get3A_42 = arith.constant 0 : index
      %get3A_43 = vector.load %arg8[%get3A_41, %get3A_42] : memref<781x512xf32, #tpu.memory_space<vmem>>, vector<768x512xf32>
      %dot_general3A_44 = arith.constant dense<0.000000e+00> : vector<160x512xf32>
      %dot_general3A_45 = tpu.matmul %get3A_12, %get3A_43, %dot_general3A_44 {dimension_numbers = #tpu.dot_dimension_numbers<[1], [0], [0], [1], [0, 0, 1, 1], [], []>, transpose_lhs_hint = false} : vector<160x768xf32>, vector<768x512xf32>, vector<160x512xf32> -> vector<160x512xf32>
      %get3A_46 = arith.constant 768 : index
      %get3A_47 = arith.constant 0 : index
      %get3A_48 = vector.load %arg8[%get3A_46, %get3A_47] : memref<781x512xf32, #tpu.memory_space<vmem>>, vector<13x512xf32>
      %dot_general3A_49 = arith.constant dense<0.000000e+00> : vector<160x512xf32>
      %dot_general3A_50 = tpu.matmul %div3A_40, %get3A_48, %dot_general3A_49 {dimension_numbers = #tpu.dot_dimension_numbers<[1], [0], [0], [1], [0, 0, 1, 1], [], []>, transpose_lhs_hint = false} : vector<160x13xf32>, vector<13x512xf32>, vector<160x512xf32> -> vector<160x512xf32>
      %add3A_51 = arith.addf %dot_general3A_45, %dot_general3A_50 : vector<160x512xf32>
      %get3A_52 = arith.constant 0 : index
      %get3A_53 = arith.constant 0 : index
      %get3A_54 = vector.load %arg9[%get3A_52, %get3A_53] : memref<1x512xf32, #tpu.memory_space<vmem>>, vector<1x512xf32>
      %add3A_55 = vector.broadcast %get3A_54 : vector<1x512xf32> to vector<160x512xf32>
      %add3A_56 = arith.addf %add3A_51, %add3A_55 : vector<160x512xf32>
      %max3A_57 = arith.constant 0.000000e+00 : f32
      %max3A_58 = vector.broadcast %max3A_57 : f32 to vector<160x512xf32>
      %max3A_59 = arith.maximumf %add3A_56, %max3A_58 : vector<160x512xf32>
      %get3A_60 = arith.constant 0 : index
      %get3A_61 = arith.constant 0 : index
      %get3A_62 = vector.load %arg10[%get3A_60, %get3A_61] : memref<512x512xf32, #tpu.memory_space<vmem>>, vector<512x512xf32>
      %dot_general3A_63 = arith.constant dense<0.000000e+00> : vector<160x512xf32>
      %dot_general3A_64 = tpu.matmul %max3A_59, %get3A_62, %dot_general3A_63 {dimension_numbers = #tpu.dot_dimension_numbers<[1], [0], [0], [1], [0, 0, 1, 1], [], []>, transpose_lhs_hint = false} : vector<160x512xf32>, vector<512x512xf32>, vector<160x512xf32> -> vector<160x512xf32>
      %get3A_65 = arith.constant 0 : index
      %get3A_66 = arith.constant 0 : index
      %get3A_67 = vector.load %arg11[%get3A_65, %get3A_66] : memref<1x512xf32, #tpu.memory_space<vmem>>, vector<1x512xf32>
      %add3A_68 = vector.broadcast %get3A_67 : vector<1x512xf32> to vector<160x512xf32>
      %add3A_69 = arith.addf %dot_general3A_64, %add3A_68 : vector<160x512xf32>
      %get3A_70 = arith.constant 0 : index
      %get3A_71 = arith.constant 0 : index
      %get3A_72 = vector.load %arg12[%get3A_70, %get3A_71] : memref<781x512xf32, #tpu.memory_space<vmem>>, vector<768x512xf32>
      %dot_general3A_73 = arith.constant dense<0.000000e+00> : vector<160x512xf32>
      %dot_general3A_74 = tpu.matmul %get3A_12, %get3A_72, %dot_general3A_73 {dimension_numbers = #tpu.dot_dimension_numbers<[1], [0], [0], [1], [0, 0, 1, 1], [], []>, transpose_lhs_hint = false} : vector<160x768xf32>, vector<768x512xf32>, vector<160x512xf32> -> vector<160x512xf32>
      %get3A_75 = arith.constant 768 : index
      %get3A_76 = arith.constant 0 : index
      %get3A_77 = vector.load %arg12[%get3A_75, %get3A_76] : memref<781x512xf32, #tpu.memory_space<vmem>>, vector<13x512xf32>
      %dot_general3A_78 = arith.constant dense<0.000000e+00> : vector<160x512xf32>
      %dot_general3A_79 = tpu.matmul %div3A_40, %get3A_77, %dot_general3A_78 {dimension_numbers = #tpu.dot_dimension_numbers<[1], [0], [0], [1], [0, 0, 1, 1], [], []>, transpose_lhs_hint = false} : vector<160x13xf32>, vector<13x512xf32>, vector<160x512xf32> -> vector<160x512xf32>
      %add3A_80 = arith.addf %dot_general3A_74, %dot_general3A_79 : vector<160x512xf32>
      %get3A_81 = arith.constant 0 : index
      %get3A_82 = arith.constant 0 : index
      %get3A_83 = vector.load %arg13[%get3A_81, %get3A_82] : memref<1x512xf32, #tpu.memory_space<vmem>>, vector<1x512xf32>
      %add3A_84 = vector.broadcast %get3A_83 : vector<1x512xf32> to vector<160x512xf32>
      %add3A_85 = arith.addf %add3A_80, %add3A_84 : vector<160x512xf32>
      %max3A_86 = arith.constant 0.000000e+00 : f32
      %max3A_87 = vector.broadcast %max3A_86 : f32 to vector<160x512xf32>
      %max3A_88 = arith.maximumf %add3A_85, %max3A_87 : vector<160x512xf32>
      %get3A_89 = arith.constant 0 : index
      %get3A_90 = arith.constant 0 : index
      %get3A_91 = vector.load %arg14[%get3A_89, %get3A_90] : memref<512x512xf32, #tpu.memory_space<vmem>>, vector<512x512xf32>
      %dot_general3A_92 = arith.constant dense<0.000000e+00> : vector<160x512xf32>
      %dot_general3A_93 = tpu.matmul %max3A_88, %get3A_91, %dot_general3A_92 {dimension_numbers = #tpu.dot_dimension_numbers<[1], [0], [0], [1], [0, 0, 1, 1], [], []>, transpose_lhs_hint = false} : vector<160x512xf32>, vector<512x512xf32>, vector<160x512xf32> -> vector<160x512xf32>
      %get3A_94 = arith.constant 0 : index
      %get3A_95 = arith.constant 0 : index
      %get3A_96 = vector.load %arg15[%get3A_94, %get3A_95] : memref<1x512xf32, #tpu.memory_space<vmem>>, vector<1x512xf32>
      %add3A_97 = vector.broadcast %get3A_96 : vector<1x512xf32> to vector<160x512xf32>
      %add3A_98 = arith.addf %dot_general3A_93, %add3A_97 : vector<160x512xf32>
      %get3A_99 = arith.constant 0 : index
      %get3A_100 = arith.constant 0 : index
      %get3A_101 = vector.load %arg22[%get3A_99, %get3A_100] : memref<160x160xf32, #tpu.memory_space<vmem>>, vector<160x160xf32>
      %get3A_102 = arith.constant 0 : index
      %get3A_103 = arith.constant 0 : index
      %get3A_104 = vector.load %arg23[%get3A_102, %get3A_103] : memref<160x10xf32, #tpu.memory_space<vmem>>, vector<160x10xf32>
      %get3A_105 = arith.constant 0 : index
      %get3A_106 = arith.constant 0 : index
      %get3A_107 = arith.constant 0 : index
      %get3A_108 = vector.load %arg16[%get3A_105, %get3A_106, %get3A_107] : memref<10x512x512xf32, #tpu.memory_space<vmem>>, vector<1x512x512xf32>
      %get3A_109 = vector.shape_cast %get3A_108 : vector<1x512x512xf32> to vector<512x512xf32>
      %dot_general3A_110 = arith.constant dense<0.000000e+00> : vector<160x512xf32>
      %dot_general3A_111 = tpu.matmul %add3A_69, %get3A_109, %dot_general3A_110 {dimension_numbers = #tpu.dot_dimension_numbers<[1], [0], [0], [1], [0, 0, 1, 1], [], []>, transpose_lhs_hint = false} : vector<160x512xf32>, vector<512x512xf32>, vector<160x512xf32> -> vector<160x512xf32>
      %dot_general3A_112 = arith.constant dense<0.000000e+00> : vector<160x160xf32>
      %dot_general3A_113 = tpu.matmul %dot_general3A_111, %add3A_98, %dot_general3A_112 {dimension_numbers = #tpu.dot_dimension_numbers<[1], [1], [0], [0], [0, 0, 1, 0], [], []>, transpose_lhs_hint = false} : vector<160x512xf32>, vector<160x512xf32>, vector<160x160xf32> -> vector<160x160xf32>
      %mul3A = arith.mulf %dot_general3A_113, %get3A_101 : vector<160x160xf32>
      %dot_general3A_114 = arith.constant dense<0.000000e+00> : vector<160x10xf32>
      %dot_general3A_115 = tpu.matmul %mul3A, %get3A_104, %dot_general3A_114 {dimension_numbers = #tpu.dot_dimension_numbers<[1], [0], [0], [1], [0, 0, 1, 1], [], []>, transpose_lhs_hint = false} : vector<160x160xf32>, vector<160x10xf32>, vector<160x10xf32> -> vector<160x10xf32>
      %get3A_116 = arith.constant 1 : index
      %get3A_117 = arith.constant 0 : index
      %get3A_118 = arith.constant 0 : index
      %get3A_119 = vector.load %arg16[%get3A_116, %get3A_117, %get3A_118] : memref<10x512x512xf32, #tpu.memory_space<vmem>>, vector<1x512x512xf32>
      %get3A_120 = vector.shape_cast %get3A_119 : vector<1x512x512xf32> to vector<512x512xf32>
      %dot_general3A_121 = arith.constant dense<0.000000e+00> : vector<160x512xf32>
      %dot_general3A_122 = tpu.matmul %add3A_69, %get3A_120, %dot_general3A_121 {dimension_numbers = #tpu.dot_dimension_numbers<[1], [0], [0], [1], [0, 0, 1, 1], [], []>, transpose_lhs_hint = false} : vector<160x512xf32>, vector<512x512xf32>, vector<160x512xf32> -> vector<160x512xf32>
      %dot_general3A_123 = arith.constant dense<0.000000e+00> : vector<160x160xf32>
      %dot_general3A_124 = tpu.matmul %dot_general3A_122, %add3A_98, %dot_general3A_123 {dimension_numbers = #tpu.dot_dimension_numbers<[1], [1], [0], [0], [0, 0, 1, 0], [], []>, transpose_lhs_hint = false} : vector<160x512xf32>, vector<160x512xf32>, vector<160x160xf32> -> vector<160x160xf32>
      %mul3A_125 = arith.mulf %dot_general3A_124, %get3A_101 : vector<160x160xf32>
      %dot_general3A_126 = arith.constant dense<0.000000e+00> : vector<160x10xf32>
      %dot_general3A_127 = tpu.matmul %mul3A_125, %get3A_104, %dot_general3A_126 {dimension_numbers = #tpu.dot_dimension_numbers<[1], [0], [0], [1], [0, 0, 1, 1], [], []>, transpose_lhs_hint = false} : vector<160x160xf32>, vector<160x10xf32>, vector<160x10xf32> -> vector<160x10xf32>
      %get3A_128 = arith.constant 2 : index
      %get3A_129 = arith.constant 0 : index
      %get3A_130 = arith.constant 0 : index
      %get3A_131 = vector.load %arg16[%get3A_128, %get3A_129, %get3A_130] : memref<10x512x512xf32, #tpu.memory_space<vmem>>, vector<1x512x512xf32>
      %get3A_132 = vector.shape_cast %get3A_131 : vector<1x512x512xf32> to vector<512x512xf32>
      %dot_general3A_133 = arith.constant dense<0.000000e+00> : vector<160x512xf32>
      %dot_general3A_134 = tpu.matmul %add3A_69, %get3A_132, %dot_general3A_133 {dimension_numbers = #tpu.dot_dimension_numbers<[1], [0], [0], [1], [0, 0, 1, 1], [], []>, transpose_lhs_hint = false} : vector<160x512xf32>, vector<512x512xf32>, vector<160x512xf32> -> vector<160x512xf32>
      %dot_general3A_135 = arith.constant dense<0.000000e+00> : vector<160x160xf32>
      %dot_general3A_136 = tpu.matmul %dot_general3A_134, %add3A_98, %dot_general3A_135 {dimension_numbers = #tpu.dot_dimension_numbers<[1], [1], [0], [0], [0, 0, 1, 0], [], []>, transpose_lhs_hint = false} : vector<160x512xf32>, vector<160x512xf32>, vector<160x160xf32> -> vector<160x160xf32>
      %mul3A_137 = arith.mulf %dot_general3A_136, %get3A_101 : vector<160x160xf32>
      %dot_general3A_138 = arith.constant dense<0.000000e+00> : vector<160x10xf32>
      %dot_general3A_139 = tpu.matmul %mul3A_137, %get3A_104, %dot_general3A_138 {dimension_numbers = #tpu.dot_dimension_numbers<[1], [0], [0], [1], [0, 0, 1, 1], [], []>, transpose_lhs_hint = false} : vector<160x160xf32>, vector<160x10xf32>, vector<160x10xf32> -> vector<160x10xf32>
      %get3A_140 = arith.constant 3 : index
      %get3A_141 = arith.constant 0 : index
      %get3A_142 = arith.constant 0 : index
      %get3A_143 = vector.load %arg16[%get3A_140, %get3A_141, %get3A_142] : memref<10x512x512xf32, #tpu.memory_space<vmem>>, vector<1x512x512xf32>
      %get3A_144 = vector.shape_cast %get3A_143 : vector<1x512x512xf32> to vector<512x512xf32>
      %dot_general3A_145 = arith.constant dense<0.000000e+00> : vector<160x512xf32>
      %dot_general3A_146 = tpu.matmul %add3A_69, %get3A_144, %dot_general3A_145 {dimension_numbers = #tpu.dot_dimension_numbers<[1], [0], [0], [1], [0, 0, 1, 1], [], []>, transpose_lhs_hint = false} : vector<160x512xf32>, vector<512x512xf32>, vector<160x512xf32> -> vector<160x512xf32>
      %dot_general3A_147 = arith.constant dense<0.000000e+00> : vector<160x160xf32>
      %dot_general3A_148 = tpu.matmul %dot_general3A_146, %add3A_98, %dot_general3A_147 {dimension_numbers = #tpu.dot_dimension_numbers<[1], [1], [0], [0], [0, 0, 1, 0], [], []>, transpose_lhs_hint = false} : vector<160x512xf32>, vector<160x512xf32>, vector<160x160xf32> -> vector<160x160xf32>
      %mul3A_149 = arith.mulf %dot_general3A_148, %get3A_101 : vector<160x160xf32>
      %dot_general3A_150 = arith.constant dense<0.000000e+00> : vector<160x10xf32>
      %dot_general3A_151 = tpu.matmul %mul3A_149, %get3A_104, %dot_general3A_150 {dimension_numbers = #tpu.dot_dimension_numbers<[1], [0], [0], [1], [0, 0, 1, 1], [], []>, transpose_lhs_hint = false} : vector<160x160xf32>, vector<160x10xf32>, vector<160x10xf32> -> vector<160x10xf32>
      %get3A_152 = arith.constant 4 : index
      %get3A_153 = arith.constant 0 : index
      %get3A_154 = arith.constant 0 : index
      %get3A_155 = vector.load %arg16[%get3A_152, %get3A_153, %get3A_154] : memref<10x512x512xf32, #tpu.memory_space<vmem>>, vector<1x512x512xf32>
      %get3A_156 = vector.shape_cast %get3A_155 : vector<1x512x512xf32> to vector<512x512xf32>
      %dot_general3A_157 = arith.constant dense<0.000000e+00> : vector<160x512xf32>
      %dot_general3A_158 = tpu.matmul %add3A_69, %get3A_156, %dot_general3A_157 {dimension_numbers = #tpu.dot_dimension_numbers<[1], [0], [0], [1], [0, 0, 1, 1], [], []>, transpose_lhs_hint = false} : vector<160x512xf32>, vector<512x512xf32>, vector<160x512xf32> -> vector<160x512xf32>
      %dot_general3A_159 = arith.constant dense<0.000000e+00> : vector<160x160xf32>
      %dot_general3A_160 = tpu.matmul %dot_general3A_158, %add3A_98, %dot_general3A_159 {dimension_numbers = #tpu.dot_dimension_numbers<[1], [1], [0], [0], [0, 0, 1, 0], [], []>, transpose_lhs_hint = false} : vector<160x512xf32>, vector<160x512xf32>, vector<160x160xf32> -> vector<160x160xf32>
      %mul3A_161 = arith.mulf %dot_general3A_160, %get3A_101 : vector<160x160xf32>
      %dot_general3A_162 = arith.constant dense<0.000000e+00> : vector<160x10xf32>
      %dot_general3A_163 = tpu.matmul %mul3A_161, %get3A_104, %dot_general3A_162 {dimension_numbers = #tpu.dot_dimension_numbers<[1], [0], [0], [1], [0, 0, 1, 1], [], []>, transpose_lhs_hint = false} : vector<160x160xf32>, vector<160x10xf32>, vector<160x10xf32> -> vector<160x10xf32>
      %get3A_164 = arith.constant 5 : index
      %get3A_165 = arith.constant 0 : index
      %get3A_166 = arith.constant 0 : index
      %get3A_167 = vector.load %arg16[%get3A_164, %get3A_165, %get3A_166] : memref<10x512x512xf32, #tpu.memory_space<vmem>>, vector<1x512x512xf32>
      %get3A_168 = vector.shape_cast %get3A_167 : vector<1x512x512xf32> to vector<512x512xf32>
      %dot_general3A_169 = arith.constant dense<0.000000e+00> : vector<160x512xf32>
      %dot_general3A_170 = tpu.matmul %add3A_69, %get3A_168, %dot_general3A_169 {dimension_numbers = #tpu.dot_dimension_numbers<[1], [0], [0], [1], [0, 0, 1, 1], [], []>, transpose_lhs_hint = false} : vector<160x512xf32>, vector<512x512xf32>, vector<160x512xf32> -> vector<160x512xf32>
      %dot_general3A_171 = arith.constant dense<0.000000e+00> : vector<160x160xf32>
      %dot_general3A_172 = tpu.matmul %dot_general3A_170, %add3A_98, %dot_general3A_171 {dimension_numbers = #tpu.dot_dimension_numbers<[1], [1], [0], [0], [0, 0, 1, 0], [], []>, transpose_lhs_hint = false} : vector<160x512xf32>, vector<160x512xf32>, vector<160x160xf32> -> vector<160x160xf32>
      %mul3A_173 = arith.mulf %dot_general3A_172, %get3A_101 : vector<160x160xf32>
      %dot_general3A_174 = arith.constant dense<0.000000e+00> : vector<160x10xf32>
      %dot_general3A_175 = tpu.matmul %mul3A_173, %get3A_104, %dot_general3A_174 {dimension_numbers = #tpu.dot_dimension_numbers<[1], [0], [0], [1], [0, 0, 1, 1], [], []>, transpose_lhs_hint = false} : vector<160x160xf32>, vector<160x10xf32>, vector<160x10xf32> -> vector<160x10xf32>
      %get3A_176 = arith.constant 6 : index
      %get3A_177 = arith.constant 0 : index
      %get3A_178 = arith.constant 0 : index
      %get3A_179 = vector.load %arg16[%get3A_176, %get3A_177, %get3A_178] : memref<10x512x512xf32, #tpu.memory_space<vmem>>, vector<1x512x512xf32>
      %get3A_180 = vector.shape_cast %get3A_179 : vector<1x512x512xf32> to vector<512x512xf32>
      %dot_general3A_181 = arith.constant dense<0.000000e+00> : vector<160x512xf32>
      %dot_general3A_182 = tpu.matmul %add3A_69, %get3A_180, %dot_general3A_181 {dimension_numbers = #tpu.dot_dimension_numbers<[1], [0], [0], [1], [0, 0, 1, 1], [], []>, transpose_lhs_hint = false} : vector<160x512xf32>, vector<512x512xf32>, vector<160x512xf32> -> vector<160x512xf32>
      %dot_general3A_183 = arith.constant dense<0.000000e+00> : vector<160x160xf32>
      %dot_general3A_184 = tpu.matmul %dot_general3A_182, %add3A_98, %dot_general3A_183 {dimension_numbers = #tpu.dot_dimension_numbers<[1], [1], [0], [0], [0, 0, 1, 0], [], []>, transpose_lhs_hint = false} : vector<160x512xf32>, vector<160x512xf32>, vector<160x160xf32> -> vector<160x160xf32>
      %mul3A_185 = arith.mulf %dot_general3A_184, %get3A_101 : vector<160x160xf32>
      %dot_general3A_186 = arith.constant dense<0.000000e+00> : vector<160x10xf32>
      %dot_general3A_187 = tpu.matmul %mul3A_185, %get3A_104, %dot_general3A_186 {dimension_numbers = #tpu.dot_dimension_numbers<[1], [0], [0], [1], [0, 0, 1, 1], [], []>, transpose_lhs_hint = false} : vector<160x160xf32>, vector<160x10xf32>, vector<160x10xf32> -> vector<160x10xf32>
      %get3A_188 = arith.constant 7 : index
      %get3A_189 = arith.constant 0 : index
      %get3A_190 = arith.constant 0 : index
      %get3A_191 = vector.load %arg16[%get3A_188, %get3A_189, %get3A_190] : memref<10x512x512xf32, #tpu.memory_space<vmem>>, vector<1x512x512xf32>
      %get3A_192 = vector.shape_cast %get3A_191 : vector<1x512x512xf32> to vector<512x512xf32>
      %dot_general3A_193 = arith.constant dense<0.000000e+00> : vector<160x512xf32>
      %dot_general3A_194 = tpu.matmul %add3A_69, %get3A_192, %dot_general3A_193 {dimension_numbers = #tpu.dot_dimension_numbers<[1], [0], [0], [1], [0, 0, 1, 1], [], []>, transpose_lhs_hint = false} : vector<160x512xf32>, vector<512x512xf32>, vector<160x512xf32> -> vector<160x512xf32>
      %dot_general3A_195 = arith.constant dense<0.000000e+00> : vector<160x160xf32>
      %dot_general3A_196 = tpu.matmul %dot_general3A_194, %add3A_98, %dot_general3A_195 {dimension_numbers = #tpu.dot_dimension_numbers<[1], [1], [0], [0], [0, 0, 1, 0], [], []>, transpose_lhs_hint = false} : vector<160x512xf32>, vector<160x512xf32>, vector<160x160xf32> -> vector<160x160xf32>
      %mul3A_197 = arith.mulf %dot_general3A_196, %get3A_101 : vector<160x160xf32>
      %dot_general3A_198 = arith.constant dense<0.000000e+00> : vector<160x10xf32>
      %dot_general3A_199 = tpu.matmul %mul3A_197, %get3A_104, %dot_general3A_198 {dimension_numbers = #tpu.dot_dimension_numbers<[1], [0], [0], [1], [0, 0, 1, 1], [], []>, transpose_lhs_hint = false} : vector<160x160xf32>, vector<160x10xf32>, vector<160x10xf32> -> vector<160x10xf32>
      %get3A_200 = arith.constant 8 : index
      %get3A_201 = arith.constant 0 : index
      %get3A_202 = arith.constant 0 : index
      %get3A_203 = vector.load %arg16[%get3A_200, %get3A_201, %get3A_202] : memref<10x512x512xf32, #tpu.memory_space<vmem>>, vector<1x512x512xf32>
      %get3A_204 = vector.shape_cast %get3A_203 : vector<1x512x512xf32> to vector<512x512xf32>
      %dot_general3A_205 = arith.constant dense<0.000000e+00> : vector<160x512xf32>
      %dot_general3A_206 = tpu.matmul %add3A_69, %get3A_204, %dot_general3A_205 {dimension_numbers = #tpu.dot_dimension_numbers<[1], [0], [0], [1], [0, 0, 1, 1], [], []>, transpose_lhs_hint = false} : vector<160x512xf32>, vector<512x512xf32>, vector<160x512xf32> -> vector<160x512xf32>
      %dot_general3A_207 = arith.constant dense<0.000000e+00> : vector<160x160xf32>
      %dot_general3A_208 = tpu.matmul %dot_general3A_206, %add3A_98, %dot_general3A_207 {dimension_numbers = #tpu.dot_dimension_numbers<[1], [1], [0], [0], [0, 0, 1, 0], [], []>, transpose_lhs_hint = false} : vector<160x512xf32>, vector<160x512xf32>, vector<160x160xf32> -> vector<160x160xf32>
      %mul3A_209 = arith.mulf %dot_general3A_208, %get3A_101 : vector<160x160xf32>
      %dot_general3A_210 = arith.constant dense<0.000000e+00> : vector<160x10xf32>
      %dot_general3A_211 = tpu.matmul %mul3A_209, %get3A_104, %dot_general3A_210 {dimension_numbers = #tpu.dot_dimension_numbers<[1], [0], [0], [1], [0, 0, 1, 1], [], []>, transpose_lhs_hint = false} : vector<160x160xf32>, vector<160x10xf32>, vector<160x10xf32> -> vector<160x10xf32>
      %get3A_212 = arith.constant 9 : index
      %get3A_213 = arith.constant 0 : index
      %get3A_214 = arith.constant 0 : index
      %get3A_215 = vector.load %arg16[%get3A_212, %get3A_213, %get3A_214] : memref<10x512x512xf32, #tpu.memory_space<vmem>>, vector<1x512x512xf32>
      %get3A_216 = vector.shape_cast %get3A_215 : vector<1x512x512xf32> to vector<512x512xf32>
      %dot_general3A_217 = arith.constant dense<0.000000e+00> : vector<160x512xf32>
      %dot_general3A_218 = tpu.matmul %add3A_69, %get3A_216, %dot_general3A_217 {dimension_numbers = #tpu.dot_dimension_numbers<[1], [0], [0], [1], [0, 0, 1, 1], [], []>, transpose_lhs_hint = false} : vector<160x512xf32>, vector<512x512xf32>, vector<160x512xf32> -> vector<160x512xf32>
      %dot_general3A_219 = arith.constant dense<0.000000e+00> : vector<160x160xf32>
      %dot_general3A_220 = tpu.matmul %dot_general3A_218, %add3A_98, %dot_general3A_219 {dimension_numbers = #tpu.dot_dimension_numbers<[1], [1], [0], [0], [0, 0, 1, 0], [], []>, transpose_lhs_hint = false} : vector<160x512xf32>, vector<160x512xf32>, vector<160x160xf32> -> vector<160x160xf32>
      %mul3A_221 = arith.mulf %dot_general3A_220, %get3A_101 : vector<160x160xf32>
      %dot_general3A_222 = arith.constant dense<0.000000e+00> : vector<160x10xf32>
      %dot_general3A_223 = tpu.matmul %mul3A_221, %get3A_104, %dot_general3A_222 {dimension_numbers = #tpu.dot_dimension_numbers<[1], [0], [0], [1], [0, 0, 1, 1], [], []>, transpose_lhs_hint = false} : vector<160x160xf32>, vector<160x10xf32>, vector<160x10xf32> -> vector<160x10xf32>
      %concatenate3A = tpu.concatenate %dot_general3A_115, %dot_general3A_127, %dot_general3A_139, %dot_general3A_151, %dot_general3A_163, %dot_general3A_175, %dot_general3A_187, %dot_general3A_199, %dot_general3A_211, %dot_general3A_223 in 1 : vector<160x10xf32>, vector<160x10xf32>, vector<160x10xf32>, vector<160x10xf32>, vector<160x10xf32>, vector<160x10xf32>, vector<160x10xf32>, vector<160x10xf32>, vector<160x10xf32>, vector<160x10xf32> -> vector<160x100xf32>
      %get3A_224 = arith.constant 0 : index
      %get3A_225 = arith.constant 0 : index
      %get3A_226 = vector.load %arg17[%get3A_224, %get3A_225] : memref<1x100xf32, #tpu.memory_space<vmem>>, vector<1x100xf32>
      %add3A_227 = vector.broadcast %get3A_226 : vector<1x100xf32> to vector<160x100xf32>
      %add3A_228 = arith.addf %concatenate3A, %add3A_227 : vector<160x100xf32>
      %get3A_229 = arith.constant 0 : index
      %get3A_230 = arith.constant 0 : index
      %get3A_231 = vector.load %arg18[%get3A_229, %get3A_230] : memref<512x10xf32, #tpu.memory_space<vmem>>, vector<512x10xf32>
      %dot_general3A_232 = arith.constant dense<0.000000e+00> : vector<160x10xf32>
      %dot_general3A_233 = tpu.matmul %add3A_69, %get3A_231, %dot_general3A_232 {dimension_numbers = #tpu.dot_dimension_numbers<[1], [0], [0], [1], [0, 0, 1, 1], [], []>, transpose_lhs_hint = false} : vector<160x512xf32>, vector<512x10xf32>, vector<160x10xf32> -> vector<160x10xf32>
      %get3A_234 = arith.constant 0 : index
      %get3A_235 = arith.constant 0 : index
      %get3A_236 = vector.load %arg19[%get3A_234, %get3A_235] : memref<512x10xf32, #tpu.memory_space<vmem>>, vector<512x10xf32>
      %dot_general3A_237 = arith.constant dense<0.000000e+00> : vector<160x10xf32>
      %dot_general3A_238 = tpu.matmul %add3A_98, %get3A_236, %dot_general3A_237 {dimension_numbers = #tpu.dot_dimension_numbers<[1], [0], [0], [1], [0, 0, 1, 1], [], []>, transpose_lhs_hint = false} : vector<160x512xf32>, vector<512x10xf32>, vector<160x10xf32> -> vector<160x10xf32>
      %get3A_239 = arith.constant 0 : index
      %get3A_240 = arith.constant 0 : index
      %get3A_241 = vector.load %arg20[%get3A_239, %get3A_240] : memref<1440x160xf32, #tpu.memory_space<vmem>>, vector<1440x160xf32>
      %get3A_242 = arith.constant 0 : index
      %get3A_243 = arith.constant 0 : index
      %get3A_244 = vector.load %arg21[%get3A_242, %get3A_243] : memref<1440x160xf32, #tpu.memory_space<vmem>>, vector<1440x160xf32>
      %dot_general3A_245 = arith.constant dense<0.000000e+00> : vector<1440x100xf32>
      %dot_general3A_246 = tpu.matmul %get3A_241, %add3A_228, %dot_general3A_245 {dimension_numbers = #tpu.dot_dimension_numbers<[1], [0], [0], [1], [0, 0, 1, 1], [], []>, transpose_lhs_hint = false} : vector<1440x160xf32>, vector<160x100xf32>, vector<1440x100xf32> -> vector<1440x100xf32>
      %get3A_247 = arith.constant 0 : index
      %get3A_248 = arith.constant 0 : index
      %get3A_249 = vector.load %arg24[%get3A_247, %get3A_248] : memref<1440x100xf32, #tpu.memory_space<vmem>>, vector<1440x100xf32>
      %mul3A_250 = arith.mulf %dot_general3A_246, %get3A_249 : vector<1440x100xf32>
      %get3A_251 = arith.constant 0 : index
      %get3A_252 = arith.constant 0 : index
      %get3A_253 = vector.load %arg25[%get3A_251, %get3A_252] : memref<100x10xf32, #tpu.memory_space<vmem>>, vector<100x10xf32>
      %dot_general3A_254 = arith.constant dense<0.000000e+00> : vector<1440x10xf32>
      %dot_general3A_255 = tpu.matmul %mul3A_250, %get3A_253, %dot_general3A_254 {dimension_numbers = #tpu.dot_dimension_numbers<[1], [0], [0], [1], [0, 0, 1, 1], [], []>, transpose_lhs_hint = false} : vector<1440x100xf32>, vector<100x10xf32>, vector<1440x10xf32> -> vector<1440x10xf32>
      %dot_general3A_256 = arith.constant dense<0.000000e+00> : vector<1440x10xf32>
      %dot_general3A_257 = tpu.matmul %get3A_241, %dot_general3A_233, %dot_general3A_256 {dimension_numbers = #tpu.dot_dimension_numbers<[1], [0], [0], [1], [0, 0, 1, 1], [], []>, transpose_lhs_hint = false} : vector<1440x160xf32>, vector<160x10xf32>, vector<1440x10xf32> -> vector<1440x10xf32>
      %dot_general3A_258 = arith.constant dense<0.000000e+00> : vector<1440x10xf32>
      %dot_general3A_259 = tpu.matmul %get3A_244, %dot_general3A_238, %dot_general3A_258 {dimension_numbers = #tpu.dot_dimension_numbers<[1], [0], [0], [1], [0, 0, 1, 1], [], []>, transpose_lhs_hint = false} : vector<1440x160xf32>, vector<160x10xf32>, vector<1440x10xf32> -> vector<1440x10xf32>
      %add3A_260 = arith.addf %dot_general3A_257, %dot_general3A_259 : vector<1440x10xf32>
      %add3A_261 = arith.addf %dot_general3A_255, %add3A_260 : vector<1440x10xf32>
      %swap3A = arith.constant 0 : index
      %swap3A_262 = arith.constant 0 : index
      %swap3A_263 = vector.load %arg27[%swap3A, %swap3A_262] : memref<1440x10xf32, #tpu.memory_space<vmem>>, vector<1440x10xf32>
      tpu.vector_store %arg27[%swap3A, %swap3A_262], %add3A_261 {strides = array<i32>} : memref<1440x10xf32, #tpu.memory_space<vmem>>, vector<1440x10xf32>,
      %get3A_264 = arith.constant 0 : index
      %get3A_265 = arith.constant 0 : index
      %get3A_266 = vector.load %arg7[%get3A_264, %get3A_265] : memref<160x2xf32, #tpu.memory_space<vmem>>, vector<160x2xf32>
      %dot_general3A_267 = arith.constant dense<0.000000e+00> : vector<1440x2xf32>
      %dot_general3A_268 = tpu.matmul %get3A_241, %get3A_266, %dot_general3A_267 {dimension_numbers = #tpu.dot_dimension_numbers<[1], [0], [0], [1], [0, 0, 1, 1], [], []>, transpose_lhs_hint = false} : vector<1440x160xf32>, vector<160x2xf32>, vector<1440x2xf32> -> vector<1440x2xf32>
      %dot_general3A_269 = arith.constant dense<0.000000e+00> : vector<1440x2xf32>
      %dot_general3A_270 = tpu.matmul %get3A_244, %get3A_266, %dot_general3A_269 {dimension_numbers = #tpu.dot_dimension_numbers<[1], [0], [0], [1], [0, 0, 1, 1], [], []>, transpose_lhs_hint = false} : vector<1440x160xf32>, vector<160x2xf32>, vector<1440x2xf32> -> vector<1440x2xf32>
      %slice3A = vector.extract_strided_slice %dot_general3A_268 {offsets = [0, 0], sizes = [1440, 1], strides = [1, 1]} : vector<1440x2xf32> to vector<1440x1xf32>
      %mul3A_271 = arith.constant 2.560000e+02 : f32
      %mul3A_272 = vector.broadcast %mul3A_271 : f32 to vector<1440x1xf32>
      %mul3A_273 = arith.mulf %slice3A, %mul3A_272 : vector<1440x1xf32>
      %slice3A_274 = vector.extract_strided_slice %dot_general3A_268 {offsets = [0, 1], sizes = [1440, 1], strides = [1, 1]} : vector<1440x2xf32> to vector<1440x1xf32>
      %add3A_275 = arith.addf %mul3A_273, %slice3A_274 : vector<1440x1xf32>
      %slice3A_276 = vector.extract_strided_slice %dot_general3A_270 {offsets = [0, 0], sizes = [1440, 1], strides = [1, 1]} : vector<1440x2xf32> to vector<1440x1xf32>
      %mul3A_277 = arith.constant 2.560000e+02 : f32
      %mul3A_278 = vector.broadcast %mul3A_277 : f32 to vector<1440x1xf32>
      %mul3A_279 = arith.mulf %slice3A_276, %mul3A_278 : vector<1440x1xf32>
      %slice3A_280 = vector.extract_strided_slice %dot_general3A_270 {offsets = [0, 1], sizes = [1440, 1], strides = [1, 1]} : vector<1440x2xf32> to vector<1440x1xf32>
      %add3A_281 = arith.addf %mul3A_279, %slice3A_280 : vector<1440x1xf32>
      %concatenate3A_282 = tpu.concatenate %add3A_275, %add3A_281 in 1 : vector<1440x1xf32>, vector<1440x1xf32> -> vector<1440x2xf32>
      %convert_element_type3A_283 = arith.fptosi %concatenate3A_282 : vector<1440x2xf32> to vector<1440x2xi32>
      %swap3A_284 = arith.constant 0 : index
      %swap3A_285 = arith.constant 0 : index
      %swap3A_286 = vector.load %arg28[%swap3A_284, %swap3A_285] : memref<1440x2xi32, #tpu.memory_space<vmem>>, vector<1440x2xi32>
      tpu.vector_store %arg28[%swap3A_284, %swap3A_285], %convert_element_type3A_283 {strides = array<i32>} : memref<1440x2xi32, #tpu.memory_space<vmem>>, vector<1440x2xi32>,
    } else {
    }
    return
  }
  func.func @transform_0(%arg0: i32) -> (i32, i32) {
    %min3A = arith.constant 15 : i32
    %min3A_0 = arith.minsi %arg0, %min3A : i32
    %c0_i32 = arith.constant 0 : i32
    %c0_i32_1 = arith.constant 0 : i32
    return %min3A_0, %c0_i32 : i32, i32
  }
  func.func @transform_1(%arg0: i32) -> (i32, i32) {
    %c0_i32 = arith.constant 0 : i32
    %c0_i32_0 = arith.constant 0 : i32
    %c0_i32_1 = arith.constant 0 : i32
    return %c0_i32, %c0_i32_0 : i32, i32
  }
  func.func @transform_2(%arg0: i32) -> (i32, i32) {
    %c0_i32 = arith.constant 0 : i32
    %c0_i32_0 = arith.constant 0 : i32
    %c0_i32_1 = arith.constant 0 : i32
    return %c0_i32, %c0_i32_0 : i32, i32
  }
  func.func @transform_3(%arg0: i32) -> (i32, i32) {
    %c0_i32 = arith.constant 0 : i32
    %c0_i32_0 = arith.constant 0 : i32
    %c0_i32_1 = arith.constant 0 : i32
    return %c0_i32, %c0_i32_0 : i32, i32
  }
  func.func @transform_4(%arg0: i32) -> (i32, i32) {
    %c0_i32 = arith.constant 0 : i32
    %c0_i32_0 = arith.constant 0 : i32
    %c0_i32_1 = arith.constant 0 : i32
    return %c0_i32, %c0_i32_0 : i32, i32
  }
  func.func @transform_5(%arg0: i32) -> (i32, i32) {
    %c0_i32 = arith.constant 0 : i32
    %c0_i32_0 = arith.constant 0 : i32
    %c0_i32_1 = arith.constant 0 : i32
    return %c0_i32, %c0_i32_0 : i32, i32
  }
  func.func @transform_6(%arg0: i32) -> (i32, i32) {
    %c0_i32 = arith.constant 0 : i32
    %c0_i32_0 = arith.constant 0 : i32
    %c0_i32_1 = arith.constant 0 : i32
    return %c0_i32, %c0_i32_0 : i32, i32
  }
  func.func @transform_7(%arg0: i32) -> (i32, i32) {
    %c0_i32 = arith.constant 0 : i32
    %c0_i32_0 = arith.constant 0 : i32
    %c0_i32_1 = arith.constant 0 : i32
    return %c0_i32, %c0_i32_0 : i32, i32
  }
  func.func @transform_8(%arg0: i32) -> (i32, i32) {
    %c0_i32 = arith.constant 0 : i32
    %c0_i32_0 = arith.constant 0 : i32
    %c0_i32_1 = arith.constant 0 : i32
    return %c0_i32, %c0_i32_0 : i32, i32
  }
  func.func @transform_9(%arg0: i32) -> (i32, i32) {
    %c0_i32 = arith.constant 0 : i32
    %c0_i32_0 = arith.constant 0 : i32
    %c0_i32_1 = arith.constant 0 : i32
    return %c0_i32, %c0_i32_0 : i32, i32
  }
  func.func @transform_10(%arg0: i32) -> (i32, i32) {
    %c0_i32 = arith.constant 0 : i32
    %c0_i32_0 = arith.constant 0 : i32
    %c0_i32_1 = arith.constant 0 : i32
    return %c0_i32, %c0_i32_0 : i32, i32
  }
  func.func @transform_11(%arg0: i32) -> (i32, i32) {
    %c0_i32 = arith.constant 0 : i32
    %c0_i32_0 = arith.constant 0 : i32
    %c0_i32_1 = arith.constant 0 : i32
    return %c0_i32, %c0_i32_0 : i32, i32
  }
  func.func @transform_12(%arg0: i32) -> (i32, i32) {
    %c0_i32 = arith.constant 0 : i32
    %c0_i32_0 = arith.constant 0 : i32
    %c0_i32_1 = arith.constant 0 : i32
    return %c0_i32, %c0_i32_0 : i32, i32
  }
  func.func @transform_13(%arg0: i32) -> (i32, i32) {
    %c0_i32 = arith.constant 0 : i32
    %c0_i32_0 = arith.constant 0 : i32
    %c0_i32_1 = arith.constant 0 : i32
    return %c0_i32, %c0_i32_0 : i32, i32
  }
  func.func @transform_14(%arg0: i32) -> (i32, i32) {
    %c0_i32 = arith.constant 0 : i32
    %c0_i32_0 = arith.constant 0 : i32
    %c0_i32_1 = arith.constant 0 : i32
    return %c0_i32, %c0_i32_0 : i32, i32
  }
  func.func @transform_15(%arg0: i32) -> (i32, i32, i32) {
    %c0_i32 = arith.constant 0 : i32
    %c0_i32_0 = arith.constant 0 : i32
    %c0_i32_1 = arith.constant 0 : i32
    %c0_i32_2 = arith.constant 0 : i32
    return %c0_i32, %c0_i32_0, %c0_i32_1 : i32, i32, i32
  }
  func.func @transform_16(%arg0: i32) -> (i32, i32) {
    %c0_i32 = arith.constant 0 : i32
    %c0_i32_0 = arith.constant 0 : i32
    %c0_i32_1 = arith.constant 0 : i32
    return %c0_i32, %c0_i32_0 : i32, i32
  }
  func.func @transform_17(%arg0: i32) -> (i32, i32) {
    %c0_i32 = arith.constant 0 : i32
    %c0_i32_0 = arith.constant 0 : i32
    %c0_i32_1 = arith.constant 0 : i32
    return %c0_i32, %c0_i32_0 : i32, i32
  }
  func.func @transform_18(%arg0: i32) -> (i32, i32) {
    %c0_i32 = arith.constant 0 : i32
    %c0_i32_0 = arith.constant 0 : i32
    %c0_i32_1 = arith.constant 0 : i32
    return %c0_i32, %c0_i32_0 : i32, i32
  }
  func.func @transform_19(%arg0: i32) -> (i32, i32) {
    %c0_i32 = arith.constant 0 : i32
    %c0_i32_0 = arith.constant 0 : i32
    %c0_i32_1 = arith.constant 0 : i32
    return %c0_i32, %c0_i32_0 : i32, i32
  }
  func.func @transform_20(%arg0: i32) -> (i32, i32) {
    %c0_i32 = arith.constant 0 : i32
    %c0_i32_0 = arith.constant 0 : i32
    %c0_i32_1 = arith.constant 0 : i32
    return %c0_i32, %c0_i32_0 : i32, i32
  }
  func.func @transform_21(%arg0: i32) -> (i32, i32) {
    %c0_i32 = arith.constant 0 : i32
    %c0_i32_0 = arith.constant 0 : i32
    %c0_i32_1 = arith.constant 0 : i32
    return %c0_i32, %c0_i32_0 : i32, i32
  }
  func.func @transform_22(%arg0: i32) -> (i32, i32) {
    %c0_i32 = arith.constant 0 : i32
    %c0_i32_0 = arith.constant 0 : i32
    %c0_i32_1 = arith.constant 0 : i32
    return %c0_i32, %c0_i32_0 : i32, i32
  }
  func.func @transform_23(%arg0: i32) -> (i32, i32) {
    %c0_i32 = arith.constant 0 : i32
    %c0_i32_0 = arith.constant 0 : i32
    %c0_i32_1 = arith.constant 0 : i32
    return %c0_i32, %c0_i32_0 : i32, i32
  }
  func.func @transform_24(%arg0: i32) -> (i32, i32) {
    %c0_i32 = arith.constant 0 : i32
    %c0_i32_0 = arith.constant 0 : i32
    %c0_i32_1 = arith.constant 0 : i32
    return %c0_i32, %c0_i32_0 : i32, i32
  }
  func.func @transform_25(%arg0: i32) -> (i32, i32) {
    %min3A = arith.constant 15 : i32
    %min3A_0 = arith.minsi %arg0, %min3A : i32
    %c0_i32 = arith.constant 0 : i32
    %c0_i32_1 = arith.constant 0 : i32
    return %min3A_0, %c0_i32 : i32, i32
  }
  func.func @transform_26(%arg0: i32) -> (i32, i32) {
    %c0_i32 = arith.constant 0 : i32
    %c0_i32_0 = arith.constant 0 : i32
    %c0_i32_1 = arith.constant 0 : i32
    return %c0_i32, %c0_i32_0 : i32, i32
  }
  func.func @transform_27(%arg0: i32) -> (i32, i32) {
    %c0_i32 = arith.constant 0 : i32
    %c0_i32_0 = arith.constant 0 : i32
    %c0_i32_1 = arith.constant 0 : i32
    return %c0_i32, %c0_i32_0 : i32, i32
  }
}

</mosaic_0001>

<sc_bundles>
// kernel: kernel.4.cloned.1.call-start
scs
__scs_entry_jumppad:
0x0: {  	(pc) =	sbr.rel $0x88, $3  }
0x1: {  	(tag) =	ssettag $0x0;
	lr =	simm.s32 $0x1  }
0x2: {  	[smem:$0x3F90] =	sst lr;
	_ =	strace $0xD0000000  }
0x3: {  	_ = 	snop  }
0x4: {  	_ = 	snop  }
0x5: {  	_ = 	snop  }
0x6: {  	_ = 	snop  }
0x7: {  	_ = 	snop  }
__scs_overlays_trampoline_lowered:
0x8: {  	[smem:$0x3F9F] =	sst s0  }
0x9: {  	[smem:$0x3FA0] =	sst s1  }
0xa: {  	[smem:$0x3FA1] =	sst s2  }
0xb: {  	[smem:$0x3FA2] =	sst s3  }
0xc: {  	[smem:$0x3FA3] =	sst s4  }
0xd: {  	[smem:$0x3FA4] =	sst s5  }
0xe: {  	[smem:$0x3FA5] =	sst s6  }
0xf: {  	[smem:$0x3FA6] =	sst s7  }
0x10: {  	[smem:$0x3FA7] =	sst s8  }
0x11: {  	[smem:$0x3FA8] =	sst s9;
	s0 =	simm.s32 @!p0 $0x0  }
0x12: {  	s1 =	sld [smem:$0x3F8E];
	s0 =	simm.s32 @p0 $0x1  }
0x13: {  	[smem:$0x3FA9] =	sst s0;
	s0 =	simm.s32 @!p1 $0x0  }
0x14: {  	s2 =	sld [smem:$0x3F8D];
	s0 =	simm.s32 @p1 $0x1  }
0x15: {  	[smem:$0x3FAA] =	sst s0;
	s0 =	simm.s32 @!p2 $0x0  }
0x16: {  	s3 =	sld [smem:$0x3FDB];
	s0 =	simm.s32 @p2 $0x1  }
0x17: {  	s4 =	simm.s32 $0x1BF5;
	[smem:$0x3FAC] =	sst s0  }
0x18: {  	s0 =	sld [smem:$0x3F8F];
	_ =	swait.ge [sflag:s4], $0x0  }
0x19: {  	s7 =	sld [smem:$0x3F90]  }
0x1a: {  	s8 =	sadd.s32 $0xFFFFE003, lr  }
0x1b: {  	s9 =	sadd.s32 $0xFFFFFEF7, lr;
	s5 =	simm.s32 $0xFFFFFFFF;
	p2 =	slt.u32 s8, $0xFFFFF086  }
0x1c: {  	p1 =	slt.u32 s9, $0xF7A;
	s5 =	simm.s32 @!p2 $0x0  }
0x1d: {  	s5 =	simm.s32 @p1 $0x1;
	p0 =	seq.s32 s7, s2  }
0x1e: {  	s7 =	smul.u32 @!p0 $0xF7A, s2;
	p2 =	seq.s32 @!p0 s5, $0x0  }
0x1f: {  	s9 =	smul.u32 $0xF7A, s1;
	s8 =	simm.s32 @!p0 $0x1BF5;
	p2 =	por !p2, p0  }
0x20: {  	[sflag:s8] =	ssyncset.s32 @!p0 $0xFFFFF086;
	s6 =	sadd.s32 @!p0 s3, s7;
	s7 =	simm.s32 @!p0 $0x108  }
0x21: {  	s3 =	sadd.s32 s3, s9;
	s6 =	sadd.s32 @!p0 $0x88, s6;
	s7 =	simm.s32 @p2 $0x1082  }
0x22: {  	[simem:s7], [sflag:s8] =	dma.local @!p0 [hbm:s6], $0xF7A  }
0x23: {  	s9 =	sor.u32 $0xD0000000, s2;
	s6 =	simm.s32 $0x108;
	_ =	swait.ge @!p0 [sflag:s8], $0x0  }
0x24: {  	s3 =	sadd.s32 $0x88, s3;
	s6 =	simm.s32 @!p1 $0x1082;
	[sflag:s4] =	ssyncset.s32 $0xFFFFF086  }
0x25: {  	[simem:s6], [sflag:s4] =	dma.local [hbm:s3], $0xF7A  }
0x26: {  	[smem:$0x3F90] =	sst s1;
	(tag) =	ssettag s2;
	_ =	strace s9  }
0x27: {  	s1 =	sld [smem:$0x3FA0]  }
0x28: {  	s2 =	sld [smem:$0x3FA1]  }
0x29: {  	s4 =	sld [smem:$0x3FA3]  }
0x2a: {  	p0 =	seq.s32 s5, $0x0;
	s5 =	sld [smem:$0x3FA4]  }
0x2b: {  	s6 =	sld [smem:$0x3FA5]  }
0x2c: {  	s7 =	sld [smem:$0x3FA6]  }
0x2d: {  	s3 =	simm.s32 $0x108;
	s8 =	sld [smem:$0x3FA7]  }
0x2e: {  	s3 =	simm.s32 @!p0 $0x1082;
	s9 =	sld [smem:$0x3FA8]  }
0x2f: {  	lr =	sadd.s32 s0, s3;
	s0 =	sld [smem:$0x3F9F]  }
0x30: {  	s3 =	sld [smem:$0x3FA2]  }
0x31: {  	[smem:$0x3FAB] =	sst s10  }
0x32: {  	s10 =	sld [smem:$0x3FA9];
	_ =	sdelay $0x3  }
0x33: {  	p0 =	seq.s32 s10, $0x1;
	s10 =	sld [smem:$0x3FAB];
	_ =	sdelay $0x3  }
0x34: {  	[smem:$0x3FAB] =	sst s10  }
0x35: {  	s10 =	sld [smem:$0x3FAA];
	_ =	sdelay $0x3  }
0x36: {  	p1 =	seq.s32 s10, $0x1;
	s10 =	sld [smem:$0x3FAB];
	_ =	sdelay $0x3  }
0x37: {  	[smem:$0x3FAB] =	sst s10  }
0x38: {  	s10 =	sld [smem:$0x3FAC]  }
0x39: {  	_ = 	snop;
	(pc) =	sbr.ind lr, $3  }
0x3a: {  	_ = 	snop  }
0x3b: {  	_ = 	snop  }
0x3c: {  	p2 =	seq.s32 s10, $0x1;
	s10 =	sld [smem:$0x3FAB]  }
0x3d: {  	_ =	shalt  }
0x3e: {  	_ =	shalt  }
0x3f: {  	_ =	shalt  }
0x40: {  	_ =	shalt  }
0x41: {  	_ =	shalt  }
0x42: {  	_ =	shalt  }
0x43: {  	_ =	shalt  }
0x44: {  	_ =	shalt  }
0x45: {  	_ =	shalt  }
0x46: {  	_ =	shalt  }
0x47: {  	_ =	shalt  }
0x48: {  	_ =	shalt  }
0x49: {  	_ =	shalt  }
0x4a: {  	_ =	shalt  }
0x4b: {  	_ =	shalt  }
0x4c: {  	_ =	shalt  }
0x4d: {  	_ =	shalt  }
0x4e: {  	_ =	shalt  }
0x4f: {  	_ =	shalt  }
0x50: {  	_ =	shalt  }
0x51: {  	_ =	shalt  }
0x52: {  	_ =	shalt  }
0x53: {  	_ =	shalt  }
0x54: {  	_ =	shalt  }
0x55: {  	_ =	shalt  }
0x56: {  	_ =	shalt  }
0x57: {  	_ =	shalt  }
0x58: {  	_ =	shalt  }
0x59: {  	_ =	shalt  }
0x5a: {  	_ =	shalt  }
0x5b: {  	_ =	shalt  }
0x5c: {  	_ =	shalt  }
0x5d: {  	_ =	shalt  }
0x5e: {  	_ =	shalt  }
0x5f: {  	_ =	shalt  }
0x60: {  	_ =	shalt  }
0x61: {  	_ =	shalt  }
0x62: {  	_ =	shalt  }
0x63: {  	_ =	shalt  }
0x64: {  	_ =	shalt  }
0x65: {  	_ =	shalt  }
0x66: {  	_ =	shalt  }
0x67: {  	_ =	shalt  }
0x68: {  	_ =	shalt  }
0x69: {  	_ =	shalt  }
0x6a: {  	_ =	shalt  }
0x6b: {  	_ =	shalt  }
0x6c: {  	_ =	shalt  }
0x6d: {  	_ =	shalt  }
0x6e: {  	_ =	shalt  }
0x6f: {  	_ =	shalt  }
0x70: {  	_ =	shalt  }
0x71: {  	_ =	shalt  }
0x72: {  	_ =	shalt  }
0x73: {  	_ =	shalt  }
0x74: {  	_ =	shalt  }
0x75: {  	_ =	shalt  }
0x76: {  	_ =	shalt  }
0x77: {  	_ =	shalt  }
0x78: {  	_ =	shalt  }
0x79: {  	_ =	shalt  }
0x7a: {  	_ =	shalt  }
0x7b: {  	_ =	shalt  }
0x7c: {  	_ =	shalt  }
0x7d: {  	_ =	shalt  }
0x7e: {  	_ =	shalt  }
0x7f: {  	_ =	shalt  }
0x80: {  	_ =	shalt  }
0x81: {  	_ =	shalt  }
0x82: {  	_ =	shalt  }
0x83: {  	_ =	shalt  }
0x84: {  	_ =	shalt  }
0x85: {  	_ =	shalt  }
0x86: {  	_ =	shalt  }
0x87: {  	_ =	shalt  }
.Lfunc_end0:
.L_simem_size_0:
called_computation_lowered:
.L_overlay_start_0:
0x88: {  	s2 =	sld [smem:$0x3FD9]  }
0x89: {  	s3 =	sld [smem:$0x3FFE];
	_ =	sdelay $0x1  }
0x8a: {  	s1 =	srdreg.scid  }
0x8b: {  	s0 =	sand.u32 $0x1, s1  }
0x8c: {  	s14 =	sshll.u32 s0, $0xA;
	s2 =	sadd.s32 s3, s2  }
0x8d: {  	s2 =	sadd.s32 s2, s14  }
0x8e: {  	[smem:$0x3FB7] =	sst s2  }
0x8f: {  	_ = 	snop  }
0x90: {  	s2 =	sld [smem:$0x3FD0];
	_ =	sdelay $0x2  }
0x91: {  	s4 =	simm.s32 $0xA;
	s5 =	simm.s32 $0x10;
	s15 =	sld [smem:$0x3FC9]  }
0x92: {  	[smem:s5], [sflag:s4] =	dma.local [hbm:s2], $0x1  }
0x93: {  	_ =	swait.eq [sflag:s4], $0x1  }
0x94: {  	[sflag:s4] =	ssyncset.done $0x0  }
0x95: {  	[sflag:s4] =	ssyncadd.s32 $0xFFFFFFFF  }
0x96: {  	s16 =	sld [smem:$0x10];
	(tm) =	ssettm $0x1  }
0x97: {  	s17 =	sld [smem:$0x3FFB];
	_ =	sdelay $0x3  }
0x98: {  	_ =	strace s17  }
0x99: {  	s4 =	sld [smem:$0x3FFC];
	_ =	sdelay $0x3  }
0x9a: {  	_ =	strace s4  }
0x9b: {  	s4 =	sld [smem:$0x3FFD];
	_ =	sdelay $0x3  }
0x9c: {  	_ =	strace s4  }
0x9d: {  	_ =	strace $0x8FFFFFFF  }
0x9e: {  	s18 =	sld [smem:$0x3FDB];
	_ =	sdelay $0x1  }
0x9f: {  	s19 =	simm.s32 $_scs_section_size  }
0xa0: {  	s6 =	simm.s32 $_size__tile_overlayer_lowered;
	s7 =	simm.s32 $_tile_overlayer_lowered  }
0xa1: {  	s22 =	simm.s32 $0x1BFF;
	s21 =	sshll.u32 s7, $0x1;
	s4 =	sadd.s32 s19, s18  }
0xa2: {  	s8 =	simm.s32 $0x0;
	s20 =	sshll.u32 s6, $0x1;
	s6 =	sadd.s32 s21, s4  }
0xa3: {  	[timem:s8], [sflag:s22] =	dma.local [hbm:s6], s20  }
0xa4: {  	_ =	swait.ge [sflag:s22], s20  }
0xa5: {  	s5 =	ssub.s32 $0x0, s20;
	[sflag:s22] =	ssyncset.done $0x0  }
0xa6: {  	[sflag:s22] =	ssyncadd.s32 s5;
	_ =	sdelay $0x1  }
0xa7: {  	s23 =	simm.s32 $0x1B8B  }
0xa8: {  	_ =	swait.ge [sflag:s23], $0x1  }
0xa9: {  	[sflag:s23] =	ssyncset.done $0x0  }
0xaa: {  	s25 =	simm.s32 $0x1B8E;
	s24 =	sld [smem:$0x3FFE];
	[sflag:s23] =	ssyncadd.s32 $0xFFFFFFFF  }
0xab: {  	s26 =	simm.s32 $execute0_lowered;
	[smem:$0x3FD2] =	sst s25  }
0xac: {  	s6 =	sshll.u32 s26, $0x1;
	_ =	strace $0x80000046;
	[dreg:$0x1] =	wrdreg $0xFFFFFFFF  }
0xad: {  	s28 =	simm.s32 $_size_execute0_lowered;
	s4 =	sadd.s32 s4, s6;
	[dreg:$0x0] =	wrdreg $0x0  }
0xae: {  	s6 =	sshll.u32 s28, $0x1;
	[dreg:$0x2] =	wrdreg s4  }
0xaf: {  	[dreg:$0x3] =	wrdreg s6  }
0xb0: {  	[dreg:$0x4] =	wrdreg $0xC0  }
0xb1: {  	_ =	task [dreg:s8], $0x5FFFF  }
0xb2: {  	[dreg:$0x1] =	wrdreg $0xFFFFFFFF  }
0xb3: {  	[dreg:$0x0] =	wrdreg $0x60  }
0xb4: {  	[dreg:$0x2] =	wrdreg s15  }
0xb5: {  	[dreg:$0x3] =	wrdreg s24  }
0xb6: {  	[dreg:$0x4] =	wrdreg s16  }
0xb7: {  	[dreg:$0x5] =	wrdreg $0x9  }
0xb8: {  	_ =	task.clear_ibuf [dreg:s8], $0x6FFFF;
	_ =	strace $0x90000046  }
0xb9: {  	s29 =	simm.s32 $0x9;
	_ =	strace $0x80000048  }
0xba: {  	_ =	swait.ge [sflag:s29], $0x1  }
0xbb: {  	[sflag:s29] =	ssyncadd.s32 $0xFFFFFFFF  }
0xbc: {  	_ =	strace $0x90000048  }
0xbd: {  	_ =	sfence  }
0xbe: {  	s30 =	sld [smem:$0x0];
	_ =	sdelay $0x2  }
0xbf: {  	s31 =	sshll.u32 s1, $0xD;
	s1 =	sshrl.u32 s1, $0x2  }
0xc0: {  	s3 =	sand.u32 $0x4000, s31;
	s1 =	sadd.s32 s1, s30  }
0xc1: {  	s0 =	sor.u32 s3, s0;
	s1 =	sshll.u32 s1, $0x11  }
0xc2: {  	s0 =	sor.u32 s1, s0  }
0xc3: {  	s0 =	sadd.s32 $0x8F2B, s0  }
0xc4: {  	[sflag:s0] =	ssyncadd.remote.s32 $0x1  }
0xc5: {  	_ =	sfence.sel $0xFFFF  }
0xc6: {  	[dreg:$0x0] =	wrdreg $0xFFFFFFFF;
	(pc) =	sbr.abs _section_cstart, $3  }
0xc7: {  	[dreg:$0x1] =	wrdreg $0xFFFFFFFF  }
0xc8: {  	_ =	task.clear_ibuf [dreg:s8], $0x2FFFF;
	_ =	strace $0x9FFFFFFF  }
0xc9: {  	(tm) =	ssettm $0x7FFFFFFF  }
tec
execute0_lowered:
.L_overlay_start_1:
0x0: {  	(tag) =	ssettag $0x1  }
0x1: {  	s1 =	stileid.u32  }
0x2: {  	p0 =	sgt.u32 s1, $0x4  }
.Ltmp0:
0x3: {  	s2 =	rddreg [dreg:$0x0];
	(pc) =	sbr.rel @p0 .LBB2_4-.Ltmp0, $4  }
0x4: {  	s4 =	rddreg [dreg:$0x1]  }
0x5: {  	s15 =	rddreg [dreg:$0x2];
	s3 =	simm.s32 $0x0  }
0x6: {  	[smem:$0x7FF] =	sst s3  }
0x7: {  	s0 =	rddreg [dreg:$0x3];
	_ =	strace $0x80000047  }
0x8: {  	s5 =	srdreg.scid  }
0x9: {  	s30 =	sshll.u32 s1, $0x1;
	s13 =	sand.u32 $0x1, s5  }
0xa: {  	s16 =	sor.u32 s13, s30  }
0xb: {  	s4 =	sadd.s32 $0x1800, s4;
	s5 =	sshll.u32 s16, $0x1  }
0xc: {  	s6 =	sshll.u32 s16, $0x4;
	s5 =	sadd.s32 s4, s5;
	s4 =	simm.s32 $0x2  }
0xd: {  	v0 =	vmov s6;
	[tilespmem:s3], [sflag:$0x2] =	stream.linear.gather [hbm4b:s5+s3], $0x10, $0x38;
	[tilespmem:$0x3080] =	vst v63  }
0xe: {  	v0 =	vmul.u32 $0x199A, v0;
	_ =	swait.ge [sflag:s4], $0x10  }
0xf: {  	v3 =	vlaneseq.u32;
	[sflag:s4] =	ssyncset.done $0x0  }
0x10: {  	v1 =	vmul.u32 $0x199A, v3;
	v0 =	vbroadcast v0, $0x0;
	[sflag:s4] =	ssyncadd.s32 $0xFFFFFFF0  }
0x11: {  	v2 =	vld [tilespmem:$0x0]  }
0x12: {  	v0 =	vadd.s32 v1, v0  }
0x13: {  	v0 =	vshrl.u32 v0, $0x5  }
0x14: {  	v0 =	vand.u32 $0x7FFF800, v0  }
0x15: {  	v0 =	vor.u32 $0x1, v0  }
0x16: {  	v4 =	vadd.s32 v2, v0  }
0x17: {  	v1 =	vshrl.u32 v4, $0x3  }
0x18: {  	v2 =	vmul.u32 $0x30, v1  }
0x19: {  	v5 =	vand.u32 $0x7, v4  }
0x1a: {  	v6 =	vshrl.u32 v3, $0x3;
	v1 =	vand.u32 $0x7, v3;
	v5 =	vor.u32 v5, v2  }
0x1b: {  	v2 =	vmul.u32 $0x8, v6;
	v63 =	vperm.xlane v5, v1;
	_ =	sdelay $0x1  }
0x1c: {  	v6 =	vadd.s32 v2, v63;
	_ =	sdelay $0x2  }
0x1d: {  	v3 =	vor.u32 $0x8, v3  }
0x1e: {  	vm0 =	vmmov $0xffff;
	s6 =	simm.s32 $0x80;
	[tilespmem:$0x0] =	vst v4;
	v5 =	vperm.xlane v5, v3  }
0x1f: {  	[tilespmem:s6], [sflag:$0x1] =	stream.indirect_vreg.gather [hbm4b:s2+s3], $0x80, v6, vm0, $0xb8;
	[tilespmem:$0x3080] =	vst v63  }
0x20: {  	s7 =	sadd.s32 $0x100, s2;
	s8 =	simm.s32 $0x880;
	v4 =	vadd.s32 v2, v5  }
0x21: {  	[tilespmem:s8], [sflag:$0x1] =	stream.indirect_vreg.gather [hbm4b:s7+s3], $0x80, v6, vm0, $0xb8;
	[tilespmem:$0x3080] =	vst v63  }
0x22: {  	s9 =	sadd.s32 $0x200, s2;
	s10 =	simm.s32 $0x1080;
	s17 =	ssub.s32 $0x2, s13  }
0x23: {  	[tilespmem:s10], [sflag:$0x1] =	stream.indirect_vreg.gather [hbm4b:s9+s3], $0x80, v6, vm0, $0xb8;
	[tilespmem:$0x3080] =	vst v63  }
0x24: {  	s11 =	simm.s32 $0x1880;
	s18 =	sshrl.u32 s17, $0x1  }
0x25: {  	[tilespmem:s11], [sflag:$0x1] =	stream.indirect_vreg.gather [hbm4b:s2+s3], $0x80, v4, vm0, $0xb8;
	[tilespmem:$0x3080] =	vst v63  }
0x26: {  	s12 =	simm.s32 $0x2080;
	s17 =	ssub.s32 s17, s18  }
0x27: {  	[tilespmem:s12], [sflag:$0x1] =	stream.indirect_vreg.gather [hbm4b:s7+s3], $0x80, v4, vm0, $0xb8;
	[tilespmem:$0x3080] =	vst v63  }
0x28: {  	s14 =	simm.s32 $0x1;
	s13 =	simm.s32 $0x2880;
	s31 =	smax.u32 s17, $0x1  }
0x29: {  	[tilespmem:s13], [sflag:$0x1] =	stream.indirect_vreg.gather [hbm4b:s9+s3], $0x80, v4, vm0, $0xb8;
	[tilespmem:$0x3080] =	vst v63  }
0x2a: {  	s16 =	smul.u32 $0x600, s16;
	p0 =	sne.s32 s31, $0x1;
	_ =	swait.ge [sflag:s14], $0x3000  }
.Ltmp1:
0x2b: {  	[sflag:s14] =	ssyncset.done $0x0;
	(pc) =	sbr.rel @!p0 .LBB2_3-.Ltmp1, $4  }
0x2c: {  	s15 =	sadd.s32 s15, s16;
	[sflag:s14] =	ssyncadd.s32 $0xFFFFD000  }
0x2d: {  	[hbm4b:s15+s3] =	stream.linear.scatter [tilespmem:s6], [sflag:$0x2], $0x3000, $0x38;
	[tilespmem:$0x3080] =	vst v63  }
0x2e: {  	_ =	swait.ge [sflag:s4], $0x3000  }
0x2f: {  	s16 =	sadd.s32 $0xFFFFFFFF, s31;
	[sflag:s4] =	ssyncset.done $0x0  }
.LBB2_2:
0x30: {  	p0 =	sne.s32 s16, $0x1;
	s16 =	sadd.s32 $0xFFFFFFFF, s16;
	[sflag:s4] =	ssyncadd.s32 $0xFFFFD000  }
0x31: {  	[tilespmem:s3], [sflag:$0x2] =	stream.linear.gather [hbm4b:s5+s3], $0x10, $0x38;
	[tilespmem:$0x3080] =	vst v63  }
0x32: {  	_ =	swait.ge [sflag:s4], $0x10  }
0x33: {  	[sflag:s4] =	ssyncset.done $0x0  }
0x34: {  	[sflag:s4] =	ssyncadd.s32 $0xFFFFFFF0  }
0x35: {  	v4 =	vld [tilespmem:$0x0];
	_ =	sdelay $0x4  }
0x36: {  	v4 =	vadd.s32 v4, v0  }
0x37: {  	v5 =	vshrl.u32 v4, $0x3  }
0x38: {  	v5 =	vmul.u32 $0x30, v5  }
0x39: {  	v6 =	vand.u32 $0x7, v4  }
0x3a: {  	v5 =	vor.u32 v6, v5  }
0x3b: {  	v6 =	vperm.xlane v5, v1;
	v5 =	vperm.xlane v5, v3;
	_ =	sdelay $0x1  }
0x3c: {  	v6 =	vadd.s32 v2, v6;
	_ =	sdelay $0x3  }
0x3d: {  	[tilespmem:$0x0] =	vst v4  }
0x3e: {  	[tilespmem:s6], [sflag:$0x1] =	stream.indirect_vreg.gather [hbm4b:s2+s3], $0x80, v6, vm0, $0xb8;
	[tilespmem:$0x3080] =	vst v63  }
0x3f: {  	v4 =	vadd.s32 v2, v5  }
0x40: {  	[tilespmem:s8], [sflag:$0x1] =	stream.indirect_vreg.gather [hbm4b:s7+s3], $0x80, v6, vm0, $0xb8;
	[tilespmem:$0x3080] =	vst v63  }
0x41: {  	_ = 	snop  }
0x42: {  	[tilespmem:s10], [sflag:$0x1] =	stream.indirect_vreg.gather [hbm4b:s9+s3], $0x80, v6, vm0, $0xb8;
	[tilespmem:$0x3080] =	vst v63  }
0x43: {  	_ = 	snop  }
0x44: {  	[tilespmem:s11], [sflag:$0x1] =	stream.indirect_vreg.gather [hbm4b:s2+s3], $0x80, v4, vm0, $0xb8;
	[tilespmem:$0x3080] =	vst v63  }
0x45: {  	_ = 	snop  }
0x46: {  	[tilespmem:s12], [sflag:$0x1] =	stream.indirect_vreg.gather [hbm4b:s7+s3], $0x80, v4, vm0, $0xb8;
	[tilespmem:$0x3080] =	vst v63  }
0x47: {  	_ = 	snop  }
0x48: {  	[tilespmem:s13], [sflag:$0x1] =	stream.indirect_vreg.gather [hbm4b:s9+s3], $0x80, v4, vm0, $0xb8;
	[tilespmem:$0x3080] =	vst v63  }
0x49: {  	_ =	swait.ge [sflag:s14], $0x3000  }
.Ltmp2:
0x4a: {  	[sflag:s14] =	ssyncset.done $0x0;
	(pc) =	sbr.rel @p0 .LBB2_2-.Ltmp2, $4  }
0x4b: {  	[sflag:s14] =	ssyncadd.s32 $0xFFFFD000  }
0x4c: {  	[hbm4b:s15+s3] =	stream.linear.scatter [tilespmem:s6], [sflag:$0x2], $0x3000, $0x38;
	[tilespmem:$0x3080] =	vst v63  }
0x4d: {  	_ =	swait.ge [sflag:s4], $0x3000  }
0x4e: {  	[sflag:s4] =	ssyncset.done $0x0  }
.LBB2_3:
0x4f: {  	[sflag:s4] =	ssyncadd.s32 $0xFFFFD000  }
.LBB2_4:
0x50: {  	_ =	sfence.sel $0x180000  }
0x51: {  	[bflag:$0x0] =	sbarrier.arrive $0xFFFF  }
0x52: {  	p0 =	sne.s32 s1, $0x0;
	_ =	strace $0x90000047  }
0x53: {  	s0 =	sadd.s32 @!p0 $0x100000, s0;
	[bflag:$0x2] =	sbarrier.arrive $0xFFFF  }
0x54: {  	[sflag:s0] =	ssyncadd.tile.s32 @!p0 $0x1;
	_ =	shalt  }
.Lfunc_end2:
_tile_overlayer_lowered:
.L_overlay_start_2:
0x55: {  	(tag) =	ssettag $0x2  }
0x56: {  	s0 =	rddreg [dreg:$0x0];
	s2 =	stileid.u32  }
0x57: {  	s1 =	rddreg [dreg:$0x1];
	p0 =	sne.s32 s2, $0x0  }
0x58: {  	s3 =	rddreg [dreg:$0x2];
	[bflag:$0x3] =	sbarrier.arrive $0xFFFF;
	s2 =	simm.s32 @!p0 $0x1C02  }
0x59: {  	[timem:s3], [sflag:s2] =	dma.local @!p0 [hbm:s0], s1  }
0x5a: {  	s0 =	simm.s32 @!p0 $0x2  }
0x5b: {  	_ =	swait.ge @!p0 [sflag:s0], s1  }
0x5c: {  	s1 =	ssub.s32 @!p0 $0x0, s1;
	[sflag:s0] =	ssyncset.done @!p0 $0x0  }
0x5d: {  	[sflag:s0] =	ssyncadd.s32 @!p0 s1  }
0x5e: {  	[bflag:$0x3] =	sbarrier.arrive $0xFFFF  }
0x5f: {  	_ =	shalt  }

</sc_bundles>
